<compile_context>
chip_gen: v7x
topology: tpu7x:2x2x1
jax: 0.10.2.dev20260603
libtpu: 0.0.44.dev20260713+nightly
codegen_flags: <defaults>
</compile_context>

<pallas_src>
import jax
import jax.numpy as jnp
from jax import lax
from jax.experimental import pallas as pl
from jax.experimental.pallas import tpu as pltpu
from jax.experimental.pallas import tpu_sc as plsc

NUM_EXPERTS = 16
HIDDEN_DIM = 1024
EXPERT_DIM = 512
T = 32
TOP_K = 2
_L = 16


def _routing_sc_kernel(idx_hbm, sc_hbm, out_hbm, idx_v, sc_v, w_v, sem):
    wid = lax.axis_index("s") * 2 + lax.axis_index("c")

    pltpu.sync_copy(idx_hbm, idx_v)
    pltpu.sync_copy(sc_hbm, sc_v)
    for e in range(NUM_EXPERTS):
        for r in range(T // _L):
            acc = jnp.zeros((_L,), jnp.float32)
            for k in range(TOP_K):
                off = k * T + r * _L
                idx_c = idx_v[pl.ds(off, _L)]
                sc_c = sc_v[pl.ds(off, _L)]
                acc = acc + jnp.where(idx_c == e, sc_c, 0.0)
            w_v[pl.ds(e * T + r * _L, _L)] = acc

    @pl.when(wid == 0)
    def _copy_out():
        pltpu.sync_copy(w_v, out_hbm)


def _routing_weights(expert_indices, scores):
    idx_flat = expert_indices.T.reshape(TOP_K * T)
    sc_flat = scores.T.reshape(TOP_K * T)
    w = pl.kernel(
        _routing_sc_kernel,
        out_type=jax.ShapeDtypeStruct((NUM_EXPERTS * T,), jnp.float32),
        mesh=plsc.VectorSubcoreMesh(core_axis_name="c", subcore_axis_name="s"),
        scratch_types=[
            pltpu.VMEM((TOP_K * T,), jnp.int32),
            pltpu.VMEM((TOP_K * T,), jnp.float32),
            pltpu.VMEM((NUM_EXPERTS * T,), jnp.float32),
            pltpu.SemaphoreType.DMA,
        ],
    )(idx_flat, sc_flat)
    return w.reshape(NUM_EXPERTS, T)


def _moe_kernel(w_ref, x_ref, u0_ref, u1_ref, dn_ref, out_ref):
    e = pl.program_id(0)
    w = w_ref[e, :]

    x = x_ref[...]
    half = HIDDEN_DIM // 2
    h = (jnp.dot(x[:, :half], u0_ref[0], preferred_element_type=jnp.float32)
         + jnp.dot(x[:, half:], u1_ref[0], preferred_element_type=jnp.float32))
    g = h[:, :EXPERT_DIM]
    u = h[:, EXPERT_DIM:]
    y = (g * jax.nn.sigmoid(g)) * u
    o = jnp.dot(y, dn_ref[0], preferred_element_type=jnp.float32)
    contrib = o * w[:, None]

    @pl.when(e == 0)
    def _init():
        out_ref[...] = contrib

    @pl.when(e != 0)
    def _acc():
        out_ref[...] += contrib


@jax.jit
def kernel(x, expert_indices, scores, up_proj, down_proj):
    w = _routing_weights(expert_indices, scores)
    grid = (NUM_EXPERTS,)
    return pl.pallas_call(
        _moe_kernel,
        grid=grid,
        in_specs=[
            pl.BlockSpec((NUM_EXPERTS, T), lambda e: (0, 0)),
            pl.BlockSpec((T, HIDDEN_DIM), lambda e: (0, 0)),
            pl.BlockSpec((1, HIDDEN_DIM // 2, 2 * EXPERT_DIM),
                         lambda e: (e, 0, 0)),
            pl.BlockSpec((1, HIDDEN_DIM // 2, 2 * EXPERT_DIM),
                         lambda e: (e, 1, 0)),
            pl.BlockSpec((1, EXPERT_DIM, HIDDEN_DIM), lambda e: (e, 0, 0)),
        ],
        out_specs=pl.BlockSpec((T, HIDDEN_DIM), lambda e: (0, 0)),
        out_shape=jax.ShapeDtypeStruct((T, HIDDEN_DIM), jnp.float32),
        compiler_params=pltpu.CompilerParams(
            dimension_semantics=("arbitrary",),
        ),
    )(w, x, up_proj, up_proj, down_proj)

# --- scband reference (transcript-rebuilt; emitter-appended) ---
"""Pipeline reference for scband-experts-aoquantizable-6605659701457 (READ-ONLY COPY).

The authoritative reference and input builder live on the scoring server;
editing this copy changes nothing except your own understanding.
"""

import jax, jax.numpy as jnp
import numpy as np

NUM_EXPERTS = 16
HIDDEN_DIM = 1024
EXPERT_DIM = 512
T = 32
TOP_K = 2


def setup_inputs(seed: int = 0) -> dict:
    key = jax.random.key(seed)
    k1, k2, k3, k4, k5 = jax.random.split(key, 5)
    x = jax.random.normal(k1, (T, HIDDEN_DIM), dtype=jnp.float32)
    expert_indices = jax.random.randint(k2, (T, TOP_K), 0, NUM_EXPERTS, dtype=jnp.int64 if jax.config.jax_enable_x64 else jnp.int32).astype(jnp.int32)
    raw = jax.random.uniform(k3, (T, TOP_K), dtype=jnp.float32)
    scores = raw / jnp.sum(raw, axis=-1, keepdims=True)
    up_proj = jax.random.normal(k4, (NUM_EXPERTS, HIDDEN_DIM, 2 * EXPERT_DIM), dtype=jnp.float32) * 0.02
    down_proj = jax.random.normal(k5, (NUM_EXPERTS, EXPERT_DIM, HIDDEN_DIM), dtype=jnp.float32) * 0.02
    return {"x": x, "expert_indices": expert_indices, "scores": scores, "up_proj": up_proj, "down_proj": down_proj}


def reference(x, expert_indices, scores, up_proj, down_proj):
    # moe_kernel: per-token gather of expert weights (decode-path MoE kernel)
    w_up = jnp.take(up_proj, expert_indices, axis=0)      # [T, K, H, 2F] gather
    w_dn = jnp.take(down_proj, expert_indices, axis=0)    # [T, K, F, H] gather
    h = jnp.einsum('th,tkhf->tkf', x, w_up)               # [T, K, 2F]
    gate, up = jnp.split(h, 2, axis=-1)                   # each [T, K, F]
    y = jax.nn.silu(gate) * up                            # act_fn = silu (gated)
    out_per_expert = jnp.einsum('tkf,tkfh->tkh', y, w_dn) # [T, K, H]
    out = jnp.sum(out_per_expert * scores[..., None], axis=1)  # [T, H]
    return out

if __name__ == "__main__":
    import jax
    _d = setup_inputs()
    print(jax.jit(kernel)(*tuple(_d.values())))

</pallas_src>

<mosaic_0001>
#map = affine_map<(d0, d1) -> (0)>
module attributes {stable_mosaic.version = 14 : i64} {
  func.func @_routing_sc_kernel(%arg0: i32, %arg1: i32, %arg2: memref<64xi32, #tpu.memory_space<hbm>>, %arg3: memref<64xf32, #tpu.memory_space<hbm>>, %arg4: memref<512xf32, #tpu.memory_space<hbm>>, %arg5: memref<64xi32, #tpu.memory_space<vmem>>, %arg6: memref<64xf32, #tpu.memory_space<vmem>>, %arg7: memref<512xf32, #tpu.memory_space<vmem>>, %arg8: memref<!tpu.dma_semaphore, #tpu.memory_space<semaphore_mem>>) attributes {dimension_semantics = [#tpu.dimension_semantics<core_parallel>, #tpu.dimension_semantics<subcore_parallel>], iteration_bounds = array<i64: 2, 16>, scalar_prefetch = 0 : i64, scratch_operands = 4 : i64, tpu.core_type = #tpu.core_type<sc_vector_subcore>, window_params = [{transform_indices = #map}, {transform_indices = #map}, {transform_indices = #map}]} {
    %mul3A = arith.constant 2 : i32
    %mul3A_0 = arith.muli %arg1, %mul3A : i32
    %add3A = arith.addi %mul3A_0, %arg0 : i32
    "tpu.region"() ({
      %run_scoped3A = tpu.sem_alloc : memref<!tpu.dma_semaphore, #tpu.memory_space<semaphore_mem>>
      tpu.enqueue_dma source(%arg2 : memref<64xi32, #tpu.memory_space<hbm>>) target(%arg5 : memref<64xi32, #tpu.memory_space<vmem>>) target_semaphore(%run_scoped3A : memref<!tpu.dma_semaphore, #tpu.memory_space<semaphore_mem>>)
      tpu.wait_dma2 semaphore(%run_scoped3A : memref<!tpu.dma_semaphore, #tpu.memory_space<semaphore_mem>>) src(%arg2 : memref<64xi32, #tpu.memory_space<hbm>>) dst(%arg5 : memref<64xi32, #tpu.memory_space<vmem>>)
      tpu.yield
    }) : () -> ()
    "tpu.region"() ({
      %run_scoped3A = tpu.sem_alloc : memref<!tpu.dma_semaphore, #tpu.memory_space<semaphore_mem>>
      tpu.enqueue_dma source(%arg3 : memref<64xf32, #tpu.memory_space<hbm>>) target(%arg6 : memref<64xf32, #tpu.memory_space<vmem>>) target_semaphore(%run_scoped3A : memref<!tpu.dma_semaphore, #tpu.memory_space<semaphore_mem>>)
      tpu.wait_dma2 semaphore(%run_scoped3A : memref<!tpu.dma_semaphore, #tpu.memory_space<semaphore_mem>>) src(%arg3 : memref<64xf32, #tpu.memory_space<hbm>>) dst(%arg6 : memref<64xf32, #tpu.memory_space<vmem>>)
      tpu.yield
    }) : () -> ()
    %broadcast_in_dim3A = arith.constant 0.000000e+00 : f32
    %broadcast_in_dim3A_1 = vector.broadcast %broadcast_in_dim3A : f32 to vector<16xf32>
    %get3A = arith.constant 0 : index
    %get3A_2 = tpu.vector_load %arg5[%get3A] {strides = array<i32>} : memref<64xi32, #tpu.memory_space<vmem>>, vector<16xi32>,
    %get3A_3 = vector.shape_cast %get3A_2 : vector<16xi32> to vector<16xi32>
    %get3A_4 = arith.constant 0 : index
    %get3A_5 = tpu.vector_load %arg6[%get3A_4] {strides = array<i32>} : memref<64xf32, #tpu.memory_space<vmem>>, vector<16xf32>,
    %get3A_6 = vector.shape_cast %get3A_5 : vector<16xf32> to vector<16xf32>
    %eq3A = arith.constant 0 : i32
    %eq3A_7 = vector.broadcast %eq3A : i32 to vector<16xi32>
    %eq3A_8 = arith.cmpi eq, %get3A_3, %eq3A_7 : vector<16xi32>
    %jit3A = arith.constant 0.000000e+00 : f32
    %broadcast_in_dim3A_9 = vector.broadcast %jit3A : f32 to vector<16xf32>
    %select_n3A = arith.select %eq3A_8, %get3A_6, %broadcast_in_dim3A_9 : vector<16xi1>, vector<16xf32>
    %add3A_10 = arith.addf %broadcast_in_dim3A_1, %select_n3A : vector<16xf32>
    %get3A_11 = arith.constant 32 : index
    %get3A_12 = tpu.vector_load %arg5[%get3A_11] {strides = array<i32>} : memref<64xi32, #tpu.memory_space<vmem>>, vector<16xi32>,
    %get3A_13 = vector.shape_cast %get3A_12 : vector<16xi32> to vector<16xi32>
    %get3A_14 = arith.constant 32 : index
    %get3A_15 = tpu.vector_load %arg6[%get3A_14] {strides = array<i32>} : memref<64xf32, #tpu.memory_space<vmem>>, vector<16xf32>,
    %get3A_16 = vector.shape_cast %get3A_15 : vector<16xf32> to vector<16xf32>
    %eq3A_17 = arith.constant 0 : i32
    %eq3A_18 = vector.broadcast %eq3A_17 : i32 to vector<16xi32>
    %eq3A_19 = arith.cmpi eq, %get3A_13, %eq3A_18 : vector<16xi32>
    %jit3A_20 = arith.constant 0.000000e+00 : f32
    %broadcast_in_dim3A_21 = vector.broadcast %jit3A_20 : f32 to vector<16xf32>
    %select_n3A_22 = arith.select %eq3A_19, %get3A_16, %broadcast_in_dim3A_21 : vector<16xi1>, vector<16xf32>
    %add3A_23 = arith.addf %add3A_10, %select_n3A_22 : vector<16xf32>
    %swap3A = arith.constant 0 : index
    %swap3A_24 = tpu.vector_load %arg7[%swap3A] {strides = array<i32>} : memref<512xf32, #tpu.memory_space<vmem>>, vector<16xf32>,
    %swap3A_25 = vector.shape_cast %swap3A_24 : vector<16xf32> to vector<16xf32>
    %swap3A_26 = vector.shape_cast %add3A_23 : vector<16xf32> to vector<16xf32>
    tpu.vector_store %arg7[%swap3A], %swap3A_26 {strides = array<i32>} : memref<512xf32, #tpu.memory_space<vmem>>, vector<16xf32>,
    %broadcast_in_dim3A_27 = arith.constant 0.000000e+00 : f32
    %broadcast_in_dim3A_28 = vector.broadcast %broadcast_in_dim3A_27 : f32 to vector<16xf32>
    %get3A_29 = arith.constant 16 : index
    %get3A_30 = tpu.vector_load %arg5[%get3A_29] {strides = array<i32>} : memref<64xi32, #tpu.memory_space<vmem>>, vector<16xi32>,
    %get3A_31 = vector.shape_cast %get3A_30 : vector<16xi32> to vector<16xi32>
    %get3A_32 = arith.constant 16 : index
    %get3A_33 = tpu.vector_load %arg6[%get3A_32] {strides = array<i32>} : memref<64xf32, #tpu.memory_space<vmem>>, vector<16xf32>,
    %get3A_34 = vector.shape_cast %get3A_33 : vector<16xf32> to vector<16xf32>
    %eq3A_35 = arith.constant 0 : i32
    %eq3A_36 = vector.broadcast %eq3A_35 : i32 to vector<16xi32>
    %eq3A_37 = arith.cmpi eq, %get3A_31, %eq3A_36 : vector<16xi32>
    %jit3A_38 = arith.constant 0.000000e+00 : f32
    %broadcast_in_dim3A_39 = vector.broadcast %jit3A_38 : f32 to vector<16xf32>
    %select_n3A_40 = arith.select %eq3A_37, %get3A_34, %broadcast_in_dim3A_39 : vector<16xi1>, vector<16xf32>
    %add3A_41 = arith.addf %broadcast_in_dim3A_28, %select_n3A_40 : vector<16xf32>
    %get3A_42 = arith.constant 48 : index
    %get3A_43 = tpu.vector_load %arg5[%get3A_42] {strides = array<i32>} : memref<64xi32, #tpu.memory_space<vmem>>, vector<16xi32>,
    %get3A_44 = vector.shape_cast %get3A_43 : vector<16xi32> to vector<16xi32>
    %get3A_45 = arith.constant 48 : index
    %get3A_46 = tpu.vector_load %arg6[%get3A_45] {strides = array<i32>} : memref<64xf32, #tpu.memory_space<vmem>>, vector<16xf32>,
    %get3A_47 = vector.shape_cast %get3A_46 : vector<16xf32> to vector<16xf32>
    %eq3A_48 = arith.constant 0 : i32
    %eq3A_49 = vector.broadcast %eq3A_48 : i32 to vector<16xi32>
    %eq3A_50 = arith.cmpi eq, %get3A_44, %eq3A_49 : vector<16xi32>
    %jit3A_51 = arith.constant 0.000000e+00 : f32
    %broadcast_in_dim3A_52 = vector.broadcast %jit3A_51 : f32 to vector<16xf32>
    %select_n3A_53 = arith.select %eq3A_50, %get3A_47, %broadcast_in_dim3A_52 : vector<16xi1>, vector<16xf32>
    %add3A_54 = arith.addf %add3A_41, %select_n3A_53 : vector<16xf32>
    %swap3A_55 = arith.constant 16 : index
    %swap3A_56 = tpu.vector_load %arg7[%swap3A_55] {strides = array<i32>} : memref<512xf32, #tpu.memory_space<vmem>>, vector<16xf32>,
    %swap3A_57 = vector.shape_cast %swap3A_56 : vector<16xf32> to vector<16xf32>
    %swap3A_58 = vector.shape_cast %add3A_54 : vector<16xf32> to vector<16xf32>
    tpu.vector_store %arg7[%swap3A_55], %swap3A_58 {strides = array<i32>} : memref<512xf32, #tpu.memory_space<vmem>>, vector<16xf32>,
    %broadcast_in_dim3A_59 = arith.constant 0.000000e+00 : f32
    %broadcast_in_dim3A_60 = vector.broadcast %broadcast_in_dim3A_59 : f32 to vector<16xf32>
    %get3A_61 = arith.constant 0 : index
    %get3A_62 = tpu.vector_load %arg5[%get3A_61] {strides = array<i32>} : memref<64xi32, #tpu.memory_space<vmem>>, vector<16xi32>,
    %get3A_63 = vector.shape_cast %get3A_62 : vector<16xi32> to vector<16xi32>
    %get3A_64 = arith.constant 0 : index
    %get3A_65 = tpu.vector_load %arg6[%get3A_64] {strides = array<i32>} : memref<64xf32, #tpu.memory_space<vmem>>, vector<16xf32>,
    %get3A_66 = vector.shape_cast %get3A_65 : vector<16xf32> to vector<16xf32>
    %eq3A_67 = arith.constant 1 : i32
    %eq3A_68 = vector.broadcast %eq3A_67 : i32 to vector<16xi32>
    %eq3A_69 = arith.cmpi eq, %get3A_63, %eq3A_68 : vector<16xi32>
    %jit3A_70 = arith.constant 0.000000e+00 : f32
    %broadcast_in_dim3A_71 = vector.broadcast %jit3A_70 : f32 to vector<16xf32>
    %select_n3A_72 = arith.select %eq3A_69, %get3A_66, %broadcast_in_dim3A_71 : vector<16xi1>, vector<16xf32>
    %add3A_73 = arith.addf %broadcast_in_dim3A_60, %select_n3A_72 : vector<16xf32>
    %get3A_74 = arith.constant 32 : index
    %get3A_75 = tpu.vector_load %arg5[%get3A_74] {strides = array<i32>} : memref<64xi32, #tpu.memory_space<vmem>>, vector<16xi32>,
    %get3A_76 = vector.shape_cast %get3A_75 : vector<16xi32> to vector<16xi32>
    %get3A_77 = arith.constant 32 : index
    %get3A_78 = tpu.vector_load %arg6[%get3A_77] {strides = array<i32>} : memref<64xf32, #tpu.memory_space<vmem>>, vector<16xf32>,
    %get3A_79 = vector.shape_cast %get3A_78 : vector<16xf32> to vector<16xf32>
    %eq3A_80 = arith.constant 1 : i32
    %eq3A_81 = vector.broadcast %eq3A_80 : i32 to vector<16xi32>
    %eq3A_82 = arith.cmpi eq, %get3A_76, %eq3A_81 : vector<16xi32>
    %jit3A_83 = arith.constant 0.000000e+00 : f32
    %broadcast_in_dim3A_84 = vector.broadcast %jit3A_83 : f32 to vector<16xf32>
    %select_n3A_85 = arith.select %eq3A_82, %get3A_79, %broadcast_in_dim3A_84 : vector<16xi1>, vector<16xf32>
    %add3A_86 = arith.addf %add3A_73, %select_n3A_85 : vector<16xf32>
    %swap3A_87 = arith.constant 32 : index
    %swap3A_88 = tpu.vector_load %arg7[%swap3A_87] {strides = array<i32>} : memref<512xf32, #tpu.memory_space<vmem>>, vector<16xf32>,
    %swap3A_89 = vector.shape_cast %swap3A_88 : vector<16xf32> to vector<16xf32>
    %swap3A_90 = vector.shape_cast %add3A_86 : vector<16xf32> to vector<16xf32>
    tpu.vector_store %arg7[%swap3A_87], %swap3A_90 {strides = array<i32>} : memref<512xf32, #tpu.memory_space<vmem>>, vector<16xf32>,
    %broadcast_in_dim3A_91 = arith.constant 0.000000e+00 : f32
    %broadcast_in_dim3A_92 = vector.broadcast %broadcast_in_dim3A_91 : f32 to vector<16xf32>
    %get3A_93 = arith.constant 16 : index
    %get3A_94 = tpu.vector_load %arg5[%get3A_93] {strides = array<i32>} : memref<64xi32, #tpu.memory_space<vmem>>, vector<16xi32>,
    %get3A_95 = vector.shape_cast %get3A_94 : vector<16xi32> to vector<16xi32>
    %get3A_96 = arith.constant 16 : index
    %get3A_97 = tpu.vector_load %arg6[%get3A_96] {strides = array<i32>} : memref<64xf32, #tpu.memory_space<vmem>>, vector<16xf32>,
    %get3A_98 = vector.shape_cast %get3A_97 : vector<16xf32> to vector<16xf32>
    %eq3A_99 = arith.constant 1 : i32
    %eq3A_100 = vector.broadcast %eq3A_99 : i32 to vector<16xi32>
    %eq3A_101 = arith.cmpi eq, %get3A_95, %eq3A_100 : vector<16xi32>
    %jit3A_102 = arith.constant 0.000000e+00 : f32
    %broadcast_in_dim3A_103 = vector.broadcast %jit3A_102 : f32 to vector<16xf32>
    %select_n3A_104 = arith.select %eq3A_101, %get3A_98, %broadcast_in_dim3A_103 : vector<16xi1>, vector<16xf32>
    %add3A_105 = arith.addf %broadcast_in_dim3A_92, %select_n3A_104 : vector<16xf32>
    %get3A_106 = arith.constant 48 : index
    %get3A_107 = tpu.vector_load %arg5[%get3A_106] {strides = array<i32>} : memref<64xi32, #tpu.memory_space<vmem>>, vector<16xi32>,
    %get3A_108 = vector.shape_cast %get3A_107 : vector<16xi32> to vector<16xi32>
    %get3A_109 = arith.constant 48 : index
    %get3A_110 = tpu.vector_load %arg6[%get3A_109] {strides = array<i32>} : memref<64xf32, #tpu.memory_space<vmem>>, vector<16xf32>,
    %get3A_111 = vector.shape_cast %get3A_110 : vector<16xf32> to vector<16xf32>
    %eq3A_112 = arith.constant 1 : i32
    %eq3A_113 = vector.broadcast %eq3A_112 : i32 to vector<16xi32>
    %eq3A_114 = arith.cmpi eq, %get3A_108, %eq3A_113 : vector<16xi32>
    %jit3A_115 = arith.constant 0.000000e+00 : f32
    %broadcast_in_dim3A_116 = vector.broadcast %jit3A_115 : f32 to vector<16xf32>
    %select_n3A_117 = arith.select %eq3A_114, %get3A_111, %broadcast_in_dim3A_116 : vector<16xi1>, vector<16xf32>
    %add3A_118 = arith.addf %add3A_105, %select_n3A_117 : vector<16xf32>
    %swap3A_119 = arith.constant 48 : index
    %swap3A_120 = tpu.vector_load %arg7[%swap3A_119] {strides = array<i32>} : memref<512xf32, #tpu.memory_space<vmem>>, vector<16xf32>,
    %swap3A_121 = vector.shape_cast %swap3A_120 : vector<16xf32> to vector<16xf32>
    %swap3A_122 = vector.shape_cast %add3A_118 : vector<16xf32> to vector<16xf32>
    tpu.vector_store %arg7[%swap3A_119], %swap3A_122 {strides = array<i32>} : memref<512xf32, #tpu.memory_space<vmem>>, vector<16xf32>,
    %broadcast_in_dim3A_123 = arith.constant 0.000000e+00 : f32
    %broadcast_in_dim3A_124 = vector.broadcast %broadcast_in_dim3A_123 : f32 to vector<16xf32>
    %get3A_125 = arith.constant 0 : index
    %get3A_126 = tpu.vector_load %arg5[%get3A_125] {strides = array<i32>} : memref<64xi32, #tpu.memory_space<vmem>>, vector<16xi32>,
    %get3A_127 = vector.shape_cast %get3A_126 : vector<16xi32> to vector<16xi32>
    %get3A_128 = arith.constant 0 : index
    %get3A_129 = tpu.vector_load %arg6[%get3A_128] {strides = array<i32>} : memref<64xf32, #tpu.memory_space<vmem>>, vector<16xf32>,
    %get3A_130 = vector.shape_cast %get3A_129 : vector<16xf32> to vector<16xf32>
    %eq3A_131 = arith.constant 2 : i32
    %eq3A_132 = vector.broadcast %eq3A_131 : i32 to vector<16xi32>
    %eq3A_133 = arith.cmpi eq, %get3A_127, %eq3A_132 : vector<16xi32>
    %jit3A_134 = arith.constant 0.000000e+00 : f32
    %broadcast_in_dim3A_135 = vector.broadcast %jit3A_134 : f32 to vector<16xf32>
    %select_n3A_136 = arith.select %eq3A_133, %get3A_130, %broadcast_in_dim3A_135 : vector<16xi1>, vector<16xf32>
    %add3A_137 = arith.addf %broadcast_in_dim3A_124, %select_n3A_136 : vector<16xf32>
    %get3A_138 = arith.constant 32 : index
    %get3A_139 = tpu.vector_load %arg5[%get3A_138] {strides = array<i32>} : memref<64xi32, #tpu.memory_space<vmem>>, vector<16xi32>,
    %get3A_140 = vector.shape_cast %get3A_139 : vector<16xi32> to vector<16xi32>
    %get3A_141 = arith.constant 32 : index
    %get3A_142 = tpu.vector_load %arg6[%get3A_141] {strides = array<i32>} : memref<64xf32, #tpu.memory_space<vmem>>, vector<16xf32>,
    %get3A_143 = vector.shape_cast %get3A_142 : vector<16xf32> to vector<16xf32>
    %eq3A_144 = arith.constant 2 : i32
    %eq3A_145 = vector.broadcast %eq3A_144 : i32 to vector<16xi32>
    %eq3A_146 = arith.cmpi eq, %get3A_140, %eq3A_145 : vector<16xi32>
    %jit3A_147 = arith.constant 0.000000e+00 : f32
    %broadcast_in_dim3A_148 = vector.broadcast %jit3A_147 : f32 to vector<16xf32>
    %select_n3A_149 = arith.select %eq3A_146, %get3A_143, %broadcast_in_dim3A_148 : vector<16xi1>, vector<16xf32>
    %add3A_150 = arith.addf %add3A_137, %select_n3A_149 : vector<16xf32>
    %swap3A_151 = arith.constant 64 : index
    %swap3A_152 = tpu.vector_load %arg7[%swap3A_151] {strides = array<i32>} : memref<512xf32, #tpu.memory_space<vmem>>, vector<16xf32>,
    %swap3A_153 = vector.shape_cast %swap3A_152 : vector<16xf32> to vector<16xf32>
    %swap3A_154 = vector.shape_cast %add3A_150 : vector<16xf32> to vector<16xf32>
    tpu.vector_store %arg7[%swap3A_151], %swap3A_154 {strides = array<i32>} : memref<512xf32, #tpu.memory_space<vmem>>, vector<16xf32>,
    %broadcast_in_dim3A_155 = arith.constant 0.000000e+00 : f32
    %broadcast_in_dim3A_156 = vector.broadcast %broadcast_in_dim3A_155 : f32 to vector<16xf32>
    %get3A_157 = arith.constant 16 : index
    %get3A_158 = tpu.vector_load %arg5[%get3A_157] {strides = array<i32>} : memref<64xi32, #tpu.memory_space<vmem>>, vector<16xi32>,
    %get3A_159 = vector.shape_cast %get3A_158 : vector<16xi32> to vector<16xi32>
    %get3A_160 = arith.constant 16 : index
    %get3A_161 = tpu.vector_load %arg6[%get3A_160] {strides = array<i32>} : memref<64xf32, #tpu.memory_space<vmem>>, vector<16xf32>,
    %get3A_162 = vector.shape_cast %get3A_161 : vector<16xf32> to vector<16xf32>
    %eq3A_163 = arith.constant 2 : i32
    %eq3A_164 = vector.broadcast %eq3A_163 : i32 to vector<16xi32>
    %eq3A_165 = arith.cmpi eq, %get3A_159, %eq3A_164 : vector<16xi32>
    %jit3A_166 = arith.constant 0.000000e+00 : f32
    %broadcast_in_dim3A_167 = vector.broadcast %jit3A_166 : f32 to vector<16xf32>
    %select_n3A_168 = arith.select %eq3A_165, %get3A_162, %broadcast_in_dim3A_167 : vector<16xi1>, vector<16xf32>
    %add3A_169 = arith.addf %broadcast_in_dim3A_156, %select_n3A_168 : vector<16xf32>
    %get3A_170 = arith.constant 48 : index
    %get3A_171 = tpu.vector_load %arg5[%get3A_170] {strides = array<i32>} : memref<64xi32, #tpu.memory_space<vmem>>, vector<16xi32>,
    %get3A_172 = vector.shape_cast %get3A_171 : vector<16xi32> to vector<16xi32>
    %get3A_173 = arith.constant 48 : index
    %get3A_174 = tpu.vector_load %arg6[%get3A_173] {strides = array<i32>} : memref<64xf32, #tpu.memory_space<vmem>>, vector<16xf32>,
    %get3A_175 = vector.shape_cast %get3A_174 : vector<16xf32> to vector<16xf32>
    %eq3A_176 = arith.constant 2 : i32
    %eq3A_177 = vector.broadcast %eq3A_176 : i32 to vector<16xi32>
    %eq3A_178 = arith.cmpi eq, %get3A_172, %eq3A_177 : vector<16xi32>
    %jit3A_179 = arith.constant 0.000000e+00 : f32
    %broadcast_in_dim3A_180 = vector.broadcast %jit3A_179 : f32 to vector<16xf32>
    %select_n3A_181 = arith.select %eq3A_178, %get3A_175, %broadcast_in_dim3A_180 : vector<16xi1>, vector<16xf32>
    %add3A_182 = arith.addf %add3A_169, %select_n3A_181 : vector<16xf32>
    %swap3A_183 = arith.constant 80 : index
    %swap3A_184 = tpu.vector_load %arg7[%swap3A_183] {strides = array<i32>} : memref<512xf32, #tpu.memory_space<vmem>>, vector<16xf32>,
    %swap3A_185 = vector.shape_cast %swap3A_184 : vector<16xf32> to vector<16xf32>
    %swap3A_186 = vector.shape_cast %add3A_182 : vector<16xf32> to vector<16xf32>
    tpu.vector_store %arg7[%swap3A_183], %swap3A_186 {strides = array<i32>} : memref<512xf32, #tpu.memory_space<vmem>>, vector<16xf32>,
    %broadcast_in_dim3A_187 = arith.constant 0.000000e+00 : f32
    %broadcast_in_dim3A_188 = vector.broadcast %broadcast_in_dim3A_187 : f32 to vector<16xf32>
    %get3A_189 = arith.constant 0 : index
    %get3A_190 = tpu.vector_load %arg5[%get3A_189] {strides = array<i32>} : memref<64xi32, #tpu.memory_space<vmem>>, vector<16xi32>,
    %get3A_191 = vector.shape_cast %get3A_190 : vector<16xi32> to vector<16xi32>
    %get3A_192 = arith.constant 0 : index
    %get3A_193 = tpu.vector_load %arg6[%get3A_192] {strides = array<i32>} : memref<64xf32, #tpu.memory_space<vmem>>, vector<16xf32>,
    %get3A_194 = vector.shape_cast %get3A_193 : vector<16xf32> to vector<16xf32>
    %eq3A_195 = arith.constant 3 : i32
    %eq3A_196 = vector.broadcast %eq3A_195 : i32 to vector<16xi32>
    %eq3A_197 = arith.cmpi eq, %get3A_191, %eq3A_196 : vector<16xi32>
    %jit3A_198 = arith.constant 0.000000e+00 : f32
    %broadcast_in_dim3A_199 = vector.broadcast %jit3A_198 : f32 to vector<16xf32>
    %select_n3A_200 = arith.select %eq3A_197, %get3A_194, %broadcast_in_dim3A_199 : vector<16xi1>, vector<16xf32>
    %add3A_201 = arith.addf %broadcast_in_dim3A_188, %select_n3A_200 : vector<16xf32>
    %get3A_202 = arith.constant 32 : index
    %get3A_203 = tpu.vector_load %arg5[%get3A_202] {strides = array<i32>} : memref<64xi32, #tpu.memory_space<vmem>>, vector<16xi32>,
    %get3A_204 = vector.shape_cast %get3A_203 : vector<16xi32> to vector<16xi32>
    %get3A_205 = arith.constant 32 : index
    %get3A_206 = tpu.vector_load %arg6[%get3A_205] {strides = array<i32>} : memref<64xf32, #tpu.memory_space<vmem>>, vector<16xf32>,
    %get3A_207 = vector.shape_cast %get3A_206 : vector<16xf32> to vector<16xf32>
    %eq3A_208 = arith.constant 3 : i32
    %eq3A_209 = vector.broadcast %eq3A_208 : i32 to vector<16xi32>
    %eq3A_210 = arith.cmpi eq, %get3A_204, %eq3A_209 : vector<16xi32>
    %jit3A_211 = arith.constant 0.000000e+00 : f32
    %broadcast_in_dim3A_212 = vector.broadcast %jit3A_211 : f32 to vector<16xf32>
    %select_n3A_213 = arith.select %eq3A_210, %get3A_207, %broadcast_in_dim3A_212 : vector<16xi1>, vector<16xf32>
    %add3A_214 = arith.addf %add3A_201, %select_n3A_213 : vector<16xf32>
    %swap3A_215 = arith.constant 96 : index
    %swap3A_216 = tpu.vector_load %arg7[%swap3A_215] {strides = array<i32>} : memref<512xf32, #tpu.memory_space<vmem>>, vector<16xf32>,
    %swap3A_217 = vector.shape_cast %swap3A_216 : vector<16xf32> to vector<16xf32>
    %swap3A_218 = vector.shape_cast %add3A_214 : vector<16xf32> to vector<16xf32>
    tpu.vector_store %arg7[%swap3A_215], %swap3A_218 {strides = array<i32>} : memref<512xf32, #tpu.memory_space<vmem>>, vector<16xf32>,
    %broadcast_in_dim3A_219 = arith.constant 0.000000e+00 : f32
    %broadcast_in_dim3A_220 = vector.broadcast %broadcast_in_dim3A_219 : f32 to vector<16xf32>
    %get3A_221 = arith.constant 16 : index
    %get3A_222 = tpu.vector_load %arg5[%get3A_221] {strides = array<i32>} : memref<64xi32, #tpu.memory_space<vmem>>, vector<16xi32>,
    %get3A_223 = vector.shape_cast %get3A_222 : vector<16xi32> to vector<16xi32>
    %get3A_224 = arith.constant 16 : index
    %get3A_225 = tpu.vector_load %arg6[%get3A_224] {strides = array<i32>} : memref<64xf32, #tpu.memory_space<vmem>>, vector<16xf32>,
    %get3A_226 = vector.shape_cast %get3A_225 : vector<16xf32> to vector<16xf32>
    %eq3A_227 = arith.constant 3 : i32
    %eq3A_228 = vector.broadcast %eq3A_227 : i32 to vector<16xi32>
    %eq3A_229 = arith.cmpi eq, %get3A_223, %eq3A_228 : vector<16xi32>
    %jit3A_230 = arith.constant 0.000000e+00 : f32
    %broadcast_in_dim3A_231 = vector.broadcast %jit3A_230 : f32 to vector<16xf32>
    %select_n3A_232 = arith.select %eq3A_229, %get3A_226, %broadcast_in_dim3A_231 : vector<16xi1>, vector<16xf32>
    %add3A_233 = arith.addf %broadcast_in_dim3A_220, %select_n3A_232 : vector<16xf32>
    %get3A_234 = arith.constant 48 : index
    %get3A_235 = tpu.vector_load %arg5[%get3A_234] {strides = array<i32>} : memref<64xi32, #tpu.memory_space<vmem>>, vector<16xi32>,
    %get3A_236 = vector.shape_cast %get3A_235 : vector<16xi32> to vector<16xi32>
    %get3A_237 = arith.constant 48 : index
    %get3A_238 = tpu.vector_load %arg6[%get3A_237] {strides = array<i32>} : memref<64xf32, #tpu.memory_space<vmem>>, vector<16xf32>,
    %get3A_239 = vector.shape_cast %get3A_238 : vector<16xf32> to vector<16xf32>
    %eq3A_240 = arith.constant 3 : i32
    %eq3A_241 = vector.broadcast %eq3A_240 : i32 to vector<16xi32>
    %eq3A_242 = arith.cmpi eq, %get3A_236, %eq3A_241 : vector<16xi32>
    %jit3A_243 = arith.constant 0.000000e+00 : f32
    %broadcast_in_dim3A_244 = vector.broadcast %jit3A_243 : f32 to vector<16xf32>
    %select_n3A_245 = arith.select %eq3A_242, %get3A_239, %broadcast_in_dim3A_244 : vector<16xi1>, vector<16xf32>
    %add3A_246 = arith.addf %add3A_233, %select_n3A_245 : vector<16xf32>
    %swap3A_247 = arith.constant 112 : index
    %swap3A_248 = tpu.vector_load %arg7[%swap3A_247] {strides = array<i32>} : memref<512xf32, #tpu.memory_space<vmem>>, vector<16xf32>,
    %swap3A_249 = vector.shape_cast %swap3A_248 : vector<16xf32> to vector<16xf32>
    %swap3A_250 = vector.shape_cast %add3A_246 : vector<16xf32> to vector<16xf32>
    tpu.vector_store %arg7[%swap3A_247], %swap3A_250 {strides = array<i32>} : memref<512xf32, #tpu.memory_space<vmem>>, vector<16xf32>,
    %broadcast_in_dim3A_251 = arith.constant 0.000000e+00 : f32
    %broadcast_in_dim3A_252 = vector.broadcast %broadcast_in_dim3A_251 : f32 to vector<16xf32>
    %get3A_253 = arith.constant 0 : index
    %get3A_254 = tpu.vector_load %arg5[%get3A_253] {strides = array<i32>} : memref<64xi32, #tpu.memory_space<vmem>>, vector<16xi32>,
    %get3A_255 = vector.shape_cast %get3A_254 : vector<16xi32> to vector<16xi32>
    %get3A_256 = arith.constant 0 : index
    %get3A_257 = tpu.vector_load %arg6[%get3A_256] {strides = array<i32>} : memref<64xf32, #tpu.memory_space<vmem>>, vector<16xf32>,
    %get3A_258 = vector.shape_cast %get3A_257 : vector<16xf32> to vector<16xf32>
    %eq3A_259 = arith.constant 4 : i32
    %eq3A_260 = vector.broadcast %eq3A_259 : i32 to vector<16xi32>
    %eq3A_261 = arith.cmpi eq, %get3A_255, %eq3A_260 : vector<16xi32>
    %jit3A_262 = arith.constant 0.000000e+00 : f32
    %broadcast_in_dim3A_263 = vector.broadcast %jit3A_262 : f32 to vector<16xf32>
    %select_n3A_264 = arith.select %eq3A_261, %get3A_258, %broadcast_in_dim3A_263 : vector<16xi1>, vector<16xf32>
    %add3A_265 = arith.addf %broadcast_in_dim3A_252, %select_n3A_264 : vector<16xf32>
    %get3A_266 = arith.constant 32 : index
    %get3A_267 = tpu.vector_load %arg5[%get3A_266] {strides = array<i32>} : memref<64xi32, #tpu.memory_space<vmem>>, vector<16xi32>,
    %get3A_268 = vector.shape_cast %get3A_267 : vector<16xi32> to vector<16xi32>
    %get3A_269 = arith.constant 32 : index
    %get3A_270 = tpu.vector_load %arg6[%get3A_269] {strides = array<i32>} : memref<64xf32, #tpu.memory_space<vmem>>, vector<16xf32>,
    %get3A_271 = vector.shape_cast %get3A_270 : vector<16xf32> to vector<16xf32>
    %eq3A_272 = arith.constant 4 : i32
    %eq3A_273 = vector.broadcast %eq3A_272 : i32 to vector<16xi32>
    %eq3A_274 = arith.cmpi eq, %get3A_268, %eq3A_273 : vector<16xi32>
    %jit3A_275 = arith.constant 0.000000e+00 : f32
    %broadcast_in_dim3A_276 = vector.broadcast %jit3A_275 : f32 to vector<16xf32>
    %select_n3A_277 = arith.select %eq3A_274, %get3A_271, %broadcast_in_dim3A_276 : vector<16xi1>, vector<16xf32>
    %add3A_278 = arith.addf %add3A_265, %select_n3A_277 : vector<16xf32>
    %swap3A_279 = arith.constant 128 : index
    %swap3A_280 = tpu.vector_load %arg7[%swap3A_279] {strides = array<i32>} : memref<512xf32, #tpu.memory_space<vmem>>, vector<16xf32>,
    %swap3A_281 = vector.shape_cast %swap3A_280 : vector<16xf32> to vector<16xf32>
    %swap3A_282 = vector.shape_cast %add3A_278 : vector<16xf32> to vector<16xf32>
    tpu.vector_store %arg7[%swap3A_279], %swap3A_282 {strides = array<i32>} : memref<512xf32, #tpu.memory_space<vmem>>, vector<16xf32>,
    %broadcast_in_dim3A_283 = arith.constant 0.000000e+00 : f32
    %broadcast_in_dim3A_284 = vector.broadcast %broadcast_in_dim3A_283 : f32 to vector<16xf32>
    %get3A_285 = arith.constant 16 : index
    %get3A_286 = tpu.vector_load %arg5[%get3A_285] {strides = array<i32>} : memref<64xi32, #tpu.memory_space<vmem>>, vector<16xi32>,
    %get3A_287 = vector.shape_cast %get3A_286 : vector<16xi32> to vector<16xi32>
    %get3A_288 = arith.constant 16 : index
    %get3A_289 = tpu.vector_load %arg6[%get3A_288] {strides = array<i32>} : memref<64xf32, #tpu.memory_space<vmem>>, vector<16xf32>,
    %get3A_290 = vector.shape_cast %get3A_289 : vector<16xf32> to vector<16xf32>
    %eq3A_291 = arith.constant 4 : i32
    %eq3A_292 = vector.broadcast %eq3A_291 : i32 to vector<16xi32>
    %eq3A_293 = arith.cmpi eq, %get3A_287, %eq3A_292 : vector<16xi32>
    %jit3A_294 = arith.constant 0.000000e+00 : f32
    %broadcast_in_dim3A_295 = vector.broadcast %jit3A_294 : f32 to vector<16xf32>
    %select_n3A_296 = arith.select %eq3A_293, %get3A_290, %broadcast_in_dim3A_295 : vector<16xi1>, vector<16xf32>
    %add3A_297 = arith.addf %broadcast_in_dim3A_284, %select_n3A_296 : vector<16xf32>
    %get3A_298 = arith.constant 48 : index
    %get3A_299 = tpu.vector_load %arg5[%get3A_298] {strides = array<i32>} : memref<64xi32, #tpu.memory_space<vmem>>, vector<16xi32>,
    %get3A_300 = vector.shape_cast %get3A_299 : vector<16xi32> to vector<16xi32>
    %get3A_301 = arith.constant 48 : index
    %get3A_302 = tpu.vector_load %arg6[%get3A_301] {strides = array<i32>} : memref<64xf32, #tpu.memory_space<vmem>>, vector<16xf32>,
    %get3A_303 = vector.shape_cast %get3A_302 : vector<16xf32> to vector<16xf32>
    %eq3A_304 = arith.constant 4 : i32
    %eq3A_305 = vector.broadcast %eq3A_304 : i32 to vector<16xi32>
    %eq3A_306 = arith.cmpi eq, %get3A_300, %eq3A_305 : vector<16xi32>
    %jit3A_307 = arith.constant 0.000000e+00 : f32
    %broadcast_in_dim3A_308 = vector.broadcast %jit3A_307 : f32 to vector<16xf32>
    %select_n3A_309 = arith.select %eq3A_306, %get3A_303, %broadcast_in_dim3A_308 : vector<16xi1>, vector<16xf32>
    %add3A_310 = arith.addf %add3A_297, %select_n3A_309 : vector<16xf32>
    %swap3A_311 = arith.constant 144 : index
    %swap3A_312 = tpu.vector_load %arg7[%swap3A_311] {strides = array<i32>} : memref<512xf32, #tpu.memory_space<vmem>>, vector<16xf32>,
    %swap3A_313 = vector.shape_cast %swap3A_312 : vector<16xf32> to vector<16xf32>
    %swap3A_314 = vector.shape_cast %add3A_310 : vector<16xf32> to vector<16xf32>
    tpu.vector_store %arg7[%swap3A_311], %swap3A_314 {strides = array<i32>} : memref<512xf32, #tpu.memory_space<vmem>>, vector<16xf32>,
    %broadcast_in_dim3A_315 = arith.constant 0.000000e+00 : f32
    %broadcast_in_dim3A_316 = vector.broadcast %broadcast_in_dim3A_315 : f32 to vector<16xf32>
    %get3A_317 = arith.constant 0 : index
    %get3A_318 = tpu.vector_load %arg5[%get3A_317] {strides = array<i32>} : memref<64xi32, #tpu.memory_space<vmem>>, vector<16xi32>,
    %get3A_319 = vector.shape_cast %get3A_318 : vector<16xi32> to vector<16xi32>
    %get3A_320 = arith.constant 0 : index
    %get3A_321 = tpu.vector_load %arg6[%get3A_320] {strides = array<i32>} : memref<64xf32, #tpu.memory_space<vmem>>, vector<16xf32>,
    %get3A_322 = vector.shape_cast %get3A_321 : vector<16xf32> to vector<16xf32>
    %eq3A_323 = arith.constant 5 : i32
    %eq3A_324 = vector.broadcast %eq3A_323 : i32 to vector<16xi32>
    %eq3A_325 = arith.cmpi eq, %get3A_319, %eq3A_324 : vector<16xi32>
    %jit3A_326 = arith.constant 0.000000e+00 : f32
    %broadcast_in_dim3A_327 = vector.broadcast %jit3A_326 : f32 to vector<16xf32>
    %select_n3A_328 = arith.select %eq3A_325, %get3A_322, %broadcast_in_dim3A_327 : vector<16xi1>, vector<16xf32>
    %add3A_329 = arith.addf %broadcast_in_dim3A_316, %select_n3A_328 : vector<16xf32>
    %get3A_330 = arith.constant 32 : index
    %get3A_331 = tpu.vector_load %arg5[%get3A_330] {strides = array<i32>} : memref<64xi32, #tpu.memory_space<vmem>>, vector<16xi32>,
    %get3A_332 = vector.shape_cast %get3A_331 : vector<16xi32> to vector<16xi32>
    %get3A_333 = arith.constant 32 : index
    %get3A_334 = tpu.vector_load %arg6[%get3A_333] {strides = array<i32>} : memref<64xf32, #tpu.memory_space<vmem>>, vector<16xf32>,
    %get3A_335 = vector.shape_cast %get3A_334 : vector<16xf32> to vector<16xf32>
    %eq3A_336 = arith.constant 5 : i32
    %eq3A_337 = vector.broadcast %eq3A_336 : i32 to vector<16xi32>
    %eq3A_338 = arith.cmpi eq, %get3A_332, %eq3A_337 : vector<16xi32>
    %jit3A_339 = arith.constant 0.000000e+00 : f32
    %broadcast_in_dim3A_340 = vector.broadcast %jit3A_339 : f32 to vector<16xf32>
    %select_n3A_341 = arith.select %eq3A_338, %get3A_335, %broadcast_in_dim3A_340 : vector<16xi1>, vector<16xf32>
    %add3A_342 = arith.addf %add3A_329, %select_n3A_341 : vector<16xf32>
    %swap3A_343 = arith.constant 160 : index
    %swap3A_344 = tpu.vector_load %arg7[%swap3A_343] {strides = array<i32>} : memref<512xf32, #tpu.memory_space<vmem>>, vector<16xf32>,
    %swap3A_345 = vector.shape_cast %swap3A_344 : vector<16xf32> to vector<16xf32>
    %swap3A_346 = vector.shape_cast %add3A_342 : vector<16xf32> to vector<16xf32>
    tpu.vector_store %arg7[%swap3A_343], %swap3A_346 {strides = array<i32>} : memref<512xf32, #tpu.memory_space<vmem>>, vector<16xf32>,
    %broadcast_in_dim3A_347 = arith.constant 0.000000e+00 : f32
    %broadcast_in_dim3A_348 = vector.broadcast %broadcast_in_dim3A_347 : f32 to vector<16xf32>
    %get3A_349 = arith.constant 16 : index
    %get3A_350 = tpu.vector_load %arg5[%get3A_349] {strides = array<i32>} : memref<64xi32, #tpu.memory_space<vmem>>, vector<16xi32>,
    %get3A_351 = vector.shape_cast %get3A_350 : vector<16xi32> to vector<16xi32>
    %get3A_352 = arith.constant 16 : index
    %get3A_353 = tpu.vector_load %arg6[%get3A_352] {strides = array<i32>} : memref<64xf32, #tpu.memory_space<vmem>>, vector<16xf32>,
    %get3A_354 = vector.shape_cast %get3A_353 : vector<16xf32> to vector<16xf32>
    %eq3A_355 = arith.constant 5 : i32
    %eq3A_356 = vector.broadcast %eq3A_355 : i32 to vector<16xi32>
    %eq3A_357 = arith.cmpi eq, %get3A_351, %eq3A_356 : vector<16xi32>
    %jit3A_358 = arith.constant 0.000000e+00 : f32
    %broadcast_in_dim3A_359 = vector.broadcast %jit3A_358 : f32 to vector<16xf32>
    %select_n3A_360 = arith.select %eq3A_357, %get3A_354, %broadcast_in_dim3A_359 : vector<16xi1>, vector<16xf32>
    %add3A_361 = arith.addf %broadcast_in_dim3A_348, %select_n3A_360 : vector<16xf32>
    %get3A_362 = arith.constant 48 : index
    %get3A_363 = tpu.vector_load %arg5[%get3A_362] {strides = array<i32>} : memref<64xi32, #tpu.memory_space<vmem>>, vector<16xi32>,
    %get3A_364 = vector.shape_cast %get3A_363 : vector<16xi32> to vector<16xi32>
    %get3A_365 = arith.constant 48 : index
    %get3A_366 = tpu.vector_load %arg6[%get3A_365] {strides = array<i32>} : memref<64xf32, #tpu.memory_space<vmem>>, vector<16xf32>,
    %get3A_367 = vector.shape_cast %get3A_366 : vector<16xf32> to vector<16xf32>
    %eq3A_368 = arith.constant 5 : i32
    %eq3A_369 = vector.broadcast %eq3A_368 : i32 to vector<16xi32>
    %eq3A_370 = arith.cmpi eq, %get3A_364, %eq3A_369 : vector<16xi32>
    %jit3A_371 = arith.constant 0.000000e+00 : f32
    %broadcast_in_dim3A_372 = vector.broadcast %jit3A_371 : f32 to vector<16xf32>
    %select_n3A_373 = arith.select %eq3A_370, %get3A_367, %broadcast_in_dim3A_372 : vector<16xi1>, vector<16xf32>
    %add3A_374 = arith.addf %add3A_361, %select_n3A_373 : vector<16xf32>
    %swap3A_375 = arith.constant 176 : index
    %swap3A_376 = tpu.vector_load %arg7[%swap3A_375] {strides = array<i32>} : memref<512xf32, #tpu.memory_space<vmem>>, vector<16xf32>,
    %swap3A_377 = vector.shape_cast %swap3A_376 : vector<16xf32> to vector<16xf32>
    %swap3A_378 = vector.shape_cast %add3A_374 : vector<16xf32> to vector<16xf32>
    tpu.vector_store %arg7[%swap3A_375], %swap3A_378 {strides = array<i32>} : memref<512xf32, #tpu.memory_space<vmem>>, vector<16xf32>,
    %broadcast_in_dim3A_379 = arith.constant 0.000000e+00 : f32
    %broadcast_in_dim3A_380 = vector.broadcast %broadcast_in_dim3A_379 : f32 to vector<16xf32>
    %get3A_381 = arith.constant 0 : index
    %get3A_382 = tpu.vector_load %arg5[%get3A_381] {strides = array<i32>} : memref<64xi32, #tpu.memory_space<vmem>>, vector<16xi32>,
    %get3A_383 = vector.shape_cast %get3A_382 : vector<16xi32> to vector<16xi32>
    %get3A_384 = arith.constant 0 : index
    %get3A_385 = tpu.vector_load %arg6[%get3A_384] {strides = array<i32>} : memref<64xf32, #tpu.memory_space<vmem>>, vector<16xf32>,
    %get3A_386 = vector.shape_cast %get3A_385 : vector<16xf32> to vector<16xf32>
    %eq3A_387 = arith.constant 6 : i32
    %eq3A_388 = vector.broadcast %eq3A_387 : i32 to vector<16xi32>
    %eq3A_389 = arith.cmpi eq, %get3A_383, %eq3A_388 : vector<16xi32>
    %jit3A_390 = arith.constant 0.000000e+00 : f32
    %broadcast_in_dim3A_391 = vector.broadcast %jit3A_390 : f32 to vector<16xf32>
    %select_n3A_392 = arith.select %eq3A_389, %get3A_386, %broadcast_in_dim3A_391 : vector<16xi1>, vector<16xf32>
    %add3A_393 = arith.addf %broadcast_in_dim3A_380, %select_n3A_392 : vector<16xf32>
    %get3A_394 = arith.constant 32 : index
    %get3A_395 = tpu.vector_load %arg5[%get3A_394] {strides = array<i32>} : memref<64xi32, #tpu.memory_space<vmem>>, vector<16xi32>,
    %get3A_396 = vector.shape_cast %get3A_395 : vector<16xi32> to vector<16xi32>
    %get3A_397 = arith.constant 32 : index
    %get3A_398 = tpu.vector_load %arg6[%get3A_397] {strides = array<i32>} : memref<64xf32, #tpu.memory_space<vmem>>, vector<16xf32>,
    %get3A_399 = vector.shape_cast %get3A_398 : vector<16xf32> to vector<16xf32>
    %eq3A_400 = arith.constant 6 : i32
    %eq3A_401 = vector.broadcast %eq3A_400 : i32 to vector<16xi32>
    %eq3A_402 = arith.cmpi eq, %get3A_396, %eq3A_401 : vector<16xi32>
    %jit3A_403 = arith.constant 0.000000e+00 : f32
    %broadcast_in_dim3A_404 = vector.broadcast %jit3A_403 : f32 to vector<16xf32>
    %select_n3A_405 = arith.select %eq3A_402, %get3A_399, %broadcast_in_dim3A_404 : vector<16xi1>, vector<16xf32>
    %add3A_406 = arith.addf %add3A_393, %select_n3A_405 : vector<16xf32>
    %swap3A_407 = arith.constant 192 : index
    %swap3A_408 = tpu.vector_load %arg7[%swap3A_407] {strides = array<i32>} : memref<512xf32, #tpu.memory_space<vmem>>, vector<16xf32>,
    %swap3A_409 = vector.shape_cast %swap3A_408 : vector<16xf32> to vector<16xf32>
    %swap3A_410 = vector.shape_cast %add3A_406 : vector<16xf32> to vector<16xf32>
    tpu.vector_store %arg7[%swap3A_407], %swap3A_410 {strides = array<i32>} : memref<512xf32, #tpu.memory_space<vmem>>, vector<16xf32>,
    %broadcast_in_dim3A_411 = arith.constant 0.000000e+00 : f32
    %broadcast_in_dim3A_412 = vector.broadcast %broadcast_in_dim3A_411 : f32 to vector<16xf32>
    %get3A_413 = arith.constant 16 : index
    %get3A_414 = tpu.vector_load %arg5[%get3A_413] {strides = array<i32>} : memref<64xi32, #tpu.memory_space<vmem>>, vector<16xi32>,
    %get3A_415 = vector.shape_cast %get3A_414 : vector<16xi32> to vector<16xi32>
    %get3A_416 = arith.constant 16 : index
    %get3A_417 = tpu.vector_load %arg6[%get3A_416] {strides = array<i32>} : memref<64xf32, #tpu.memory_space<vmem>>, vector<16xf32>,
    %get3A_418 = vector.shape_cast %get3A_417 : vector<16xf32> to vector<16xf32>
    %eq3A_419 = arith.constant 6 : i32
    %eq3A_420 = vector.broadcast %eq3A_419 : i32 to vector<16xi32>
    %eq3A_421 = arith.cmpi eq, %get3A_415, %eq3A_420 : vector<16xi32>
    %jit3A_422 = arith.constant 0.000000e+00 : f32
    %broadcast_in_dim3A_423 = vector.broadcast %jit3A_422 : f32 to vector<16xf32>
    %select_n3A_424 = arith.select %eq3A_421, %get3A_418, %broadcast_in_dim3A_423 : vector<16xi1>, vector<16xf32>
    %add3A_425 = arith.addf %broadcast_in_dim3A_412, %select_n3A_424 : vector<16xf32>
    %get3A_426 = arith.constant 48 : index
    %get3A_427 = tpu.vector_load %arg5[%get3A_426] {strides = array<i32>} : memref<64xi32, #tpu.memory_space<vmem>>, vector<16xi32>,
    %get3A_428 = vector.shape_cast %get3A_427 : vector<16xi32> to vector<16xi32>
    %get3A_429 = arith.constant 48 : index
    %get3A_430 = tpu.vector_load %arg6[%get3A_429] {strides = array<i32>} : memref<64xf32, #tpu.memory_space<vmem>>, vector<16xf32>,
    %get3A_431 = vector.shape_cast %get3A_430 : vector<16xf32> to vector<16xf32>
    %eq3A_432 = arith.constant 6 : i32
    %eq3A_433 = vector.broadcast %eq3A_432 : i32 to vector<16xi32>
    %eq3A_434 = arith.cmpi eq, %get3A_428, %eq3A_433 : vector<16xi32>
    %jit3A_435 = arith.constant 0.000000e+00 : f32
    %broadcast_in_dim3A_436 = vector.broadcast %jit3A_435 : f32 to vector<16xf32>
    %select_n3A_437 = arith.select %eq3A_434, %get3A_431, %broadcast_in_dim3A_436 : vector<16xi1>, vector<16xf32>
    %add3A_438 = arith.addf %add3A_425, %select_n3A_437 : vector<16xf32>
    %swap3A_439 = arith.constant 208 : index
    %swap3A_440 = tpu.vector_load %arg7[%swap3A_439] {strides = array<i32>} : memref<512xf32, #tpu.memory_space<vmem>>, vector<16xf32>,
    %swap3A_441 = vector.shape_cast %swap3A_440 : vector<16xf32> to vector<16xf32>
    %swap3A_442 = vector.shape_cast %add3A_438 : vector<16xf32> to vector<16xf32>
    tpu.vector_store %arg7[%swap3A_439], %swap3A_442 {strides = array<i32>} : memref<512xf32, #tpu.memory_space<vmem>>, vector<16xf32>,
    %broadcast_in_dim3A_443 = arith.constant 0.000000e+00 : f32
    %broadcast_in_dim3A_444 = vector.broadcast %broadcast_in_dim3A_443 : f32 to vector<16xf32>
    %get3A_445 = arith.constant 0 : index
    %get3A_446 = tpu.vector_load %arg5[%get3A_445] {strides = array<i32>} : memref<64xi32, #tpu.memory_space<vmem>>, vector<16xi32>,
    %get3A_447 = vector.shape_cast %get3A_446 : vector<16xi32> to vector<16xi32>
    %get3A_448 = arith.constant 0 : index
    %get3A_449 = tpu.vector_load %arg6[%get3A_448] {strides = array<i32>} : memref<64xf32, #tpu.memory_space<vmem>>, vector<16xf32>,
    %get3A_450 = vector.shape_cast %get3A_449 : vector<16xf32> to vector<16xf32>
    %eq3A_451 = arith.constant 7 : i32
    %eq3A_452 = vector.broadcast %eq3A_451 : i32 to vector<16xi32>
    %eq3A_453 = arith.cmpi eq, %get3A_447, %eq3A_452 : vector<16xi32>
    %jit3A_454 = arith.constant 0.000000e+00 : f32
    %broadcast_in_dim3A_455 = vector.broadcast %jit3A_454 : f32 to vector<16xf32>
    %select_n3A_456 = arith.select %eq3A_453, %get3A_450, %broadcast_in_dim3A_455 : vector<16xi1>, vector<16xf32>
    %add3A_457 = arith.addf %broadcast_in_dim3A_444, %select_n3A_456 : vector<16xf32>
    %get3A_458 = arith.constant 32 : index
    %get3A_459 = tpu.vector_load %arg5[%get3A_458] {strides = array<i32>} : memref<64xi32, #tpu.memory_space<vmem>>, vector<16xi32>,
    %get3A_460 = vector.shape_cast %get3A_459 : vector<16xi32> to vector<16xi32>
    %get3A_461 = arith.constant 32 : index
    %get3A_462 = tpu.vector_load %arg6[%get3A_461] {strides = array<i32>} : memref<64xf32, #tpu.memory_space<vmem>>, vector<16xf32>,
    %get3A_463 = vector.shape_cast %get3A_462 : vector<16xf32> to vector<16xf32>
    %eq3A_464 = arith.constant 7 : i32
    %eq3A_465 = vector.broadcast %eq3A_464 : i32 to vector<16xi32>
    %eq3A_466 = arith.cmpi eq, %get3A_460, %eq3A_465 : vector<16xi32>
    %jit3A_467 = arith.constant 0.000000e+00 : f32
    %broadcast_in_dim3A_468 = vector.broadcast %jit3A_467 : f32 to vector<16xf32>
    %select_n3A_469 = arith.select %eq3A_466, %get3A_463, %broadcast_in_dim3A_468 : vector<16xi1>, vector<16xf32>
    %add3A_470 = arith.addf %add3A_457, %select_n3A_469 : vector<16xf32>
    %swap3A_471 = arith.constant 224 : index
    %swap3A_472 = tpu.vector_load %arg7[%swap3A_471] {strides = array<i32>} : memref<512xf32, #tpu.memory_space<vmem>>, vector<16xf32>,
    %swap3A_473 = vector.shape_cast %swap3A_472 : vector<16xf32> to vector<16xf32>
    %swap3A_474 = vector.shape_cast %add3A_470 : vector<16xf32> to vector<16xf32>
    tpu.vector_store %arg7[%swap3A_471], %swap3A_474 {strides = array<i32>} : memref<512xf32, #tpu.memory_space<vmem>>, vector<16xf32>,
    %broadcast_in_dim3A_475 = arith.constant 0.000000e+00 : f32
    %broadcast_in_dim3A_476 = vector.broadcast %broadcast_in_dim3A_475 : f32 to vector<16xf32>
    %get3A_477 = arith.constant 16 : index
    %get3A_478 = tpu.vector_load %arg5[%get3A_477] {strides = array<i32>} : memref<64xi32, #tpu.memory_space<vmem>>, vector<16xi32>,
    %get3A_479 = vector.shape_cast %get3A_478 : vector<16xi32> to vector<16xi32>
    %get3A_480 = arith.constant 16 : index
    %get3A_481 = tpu.vector_load %arg6[%get3A_480] {strides = array<i32>} : memref<64xf32, #tpu.memory_space<vmem>>, vector<16xf32>,
    %get3A_482 = vector.shape_cast %get3A_481 : vector<16xf32> to vector<16xf32>
    %eq3A_483 = arith.constant 7 : i32
    %eq3A_484 = vector.broadcast %eq3A_483 : i32 to vector<16xi32>
    %eq3A_485 = arith.cmpi eq, %get3A_479, %eq3A_484 : vector<16xi32>
    %jit3A_486 = arith.constant 0.000000e+00 : f32
    %broadcast_in_dim3A_487 = vector.broadcast %jit3A_486 : f32 to vector<16xf32>
    %select_n3A_488 = arith.select %eq3A_485, %get3A_482, %broadcast_in_dim3A_487 : vector<16xi1>, vector<16xf32>
    %add3A_489 = arith.addf %broadcast_in_dim3A_476, %select_n3A_488 : vector<16xf32>
    %get3A_490 = arith.constant 48 : index
    %get3A_491 = tpu.vector_load %arg5[%get3A_490] {strides = array<i32>} : memref<64xi32, #tpu.memory_space<vmem>>, vector<16xi32>,
    %get3A_492 = vector.shape_cast %get3A_491 : vector<16xi32> to vector<16xi32>
    %get3A_493 = arith.constant 48 : index
    %get3A_494 = tpu.vector_load %arg6[%get3A_493] {strides = array<i32>} : memref<64xf32, #tpu.memory_space<vmem>>, vector<16xf32>,
    %get3A_495 = vector.shape_cast %get3A_494 : vector<16xf32> to vector<16xf32>
    %eq3A_496 = arith.constant 7 : i32
    %eq3A_497 = vector.broadcast %eq3A_496 : i32 to vector<16xi32>
    %eq3A_498 = arith.cmpi eq, %get3A_492, %eq3A_497 : vector<16xi32>
    %jit3A_499 = arith.constant 0.000000e+00 : f32
    %broadcast_in_dim3A_500 = vector.broadcast %jit3A_499 : f32 to vector<16xf32>
    %select_n3A_501 = arith.select %eq3A_498, %get3A_495, %broadcast_in_dim3A_500 : vector<16xi1>, vector<16xf32>
    %add3A_502 = arith.addf %add3A_489, %select_n3A_501 : vector<16xf32>
    %swap3A_503 = arith.constant 240 : index
    %swap3A_504 = tpu.vector_load %arg7[%swap3A_503] {strides = array<i32>} : memref<512xf32, #tpu.memory_space<vmem>>, vector<16xf32>,
    %swap3A_505 = vector.shape_cast %swap3A_504 : vector<16xf32> to vector<16xf32>
    %swap3A_506 = vector.shape_cast %add3A_502 : vector<16xf32> to vector<16xf32>
    tpu.vector_store %arg7[%swap3A_503], %swap3A_506 {strides = array<i32>} : memref<512xf32, #tpu.memory_space<vmem>>, vector<16xf32>,
    %broadcast_in_dim3A_507 = arith.constant 0.000000e+00 : f32
    %broadcast_in_dim3A_508 = vector.broadcast %broadcast_in_dim3A_507 : f32 to vector<16xf32>
    %get3A_509 = arith.constant 0 : index
    %get3A_510 = tpu.vector_load %arg5[%get3A_509] {strides = array<i32>} : memref<64xi32, #tpu.memory_space<vmem>>, vector<16xi32>,
    %get3A_511 = vector.shape_cast %get3A_510 : vector<16xi32> to vector<16xi32>
    %get3A_512 = arith.constant 0 : index
    %get3A_513 = tpu.vector_load %arg6[%get3A_512] {strides = array<i32>} : memref<64xf32, #tpu.memory_space<vmem>>, vector<16xf32>,
    %get3A_514 = vector.shape_cast %get3A_513 : vector<16xf32> to vector<16xf32>
    %eq3A_515 = arith.constant 8 : i32
    %eq3A_516 = vector.broadcast %eq3A_515 : i32 to vector<16xi32>
    %eq3A_517 = arith.cmpi eq, %get3A_511, %eq3A_516 : vector<16xi32>
    %jit3A_518 = arith.constant 0.000000e+00 : f32
    %broadcast_in_dim3A_519 = vector.broadcast %jit3A_518 : f32 to vector<16xf32>
    %select_n3A_520 = arith.select %eq3A_517, %get3A_514, %broadcast_in_dim3A_519 : vector<16xi1>, vector<16xf32>
    %add3A_521 = arith.addf %broadcast_in_dim3A_508, %select_n3A_520 : vector<16xf32>
    %get3A_522 = arith.constant 32 : index
    %get3A_523 = tpu.vector_load %arg5[%get3A_522] {strides = array<i32>} : memref<64xi32, #tpu.memory_space<vmem>>, vector<16xi32>,
    %get3A_524 = vector.shape_cast %get3A_523 : vector<16xi32> to vector<16xi32>
    %get3A_525 = arith.constant 32 : index
    %get3A_526 = tpu.vector_load %arg6[%get3A_525] {strides = array<i32>} : memref<64xf32, #tpu.memory_space<vmem>>, vector<16xf32>,
    %get3A_527 = vector.shape_cast %get3A_526 : vector<16xf32> to vector<16xf32>
    %eq3A_528 = arith.constant 8 : i32
    %eq3A_529 = vector.broadcast %eq3A_528 : i32 to vector<16xi32>
    %eq3A_530 = arith.cmpi eq, %get3A_524, %eq3A_529 : vector<16xi32>
    %jit3A_531 = arith.constant 0.000000e+00 : f32
    %broadcast_in_dim3A_532 = vector.broadcast %jit3A_531 : f32 to vector<16xf32>
    %select_n3A_533 = arith.select %eq3A_530, %get3A_527, %broadcast_in_dim3A_532 : vector<16xi1>, vector<16xf32>
    %add3A_534 = arith.addf %add3A_521, %select_n3A_533 : vector<16xf32>
    %swap3A_535 = arith.constant 256 : index
    %swap3A_536 = tpu.vector_load %arg7[%swap3A_535] {strides = array<i32>} : memref<512xf32, #tpu.memory_space<vmem>>, vector<16xf32>,
    %swap3A_537 = vector.shape_cast %swap3A_536 : vector<16xf32> to vector<16xf32>
    %swap3A_538 = vector.shape_cast %add3A_534 : vector<16xf32> to vector<16xf32>
    tpu.vector_store %arg7[%swap3A_535], %swap3A_538 {strides = array<i32>} : memref<512xf32, #tpu.memory_space<vmem>>, vector<16xf32>,
    %broadcast_in_dim3A_539 = arith.constant 0.000000e+00 : f32
    %broadcast_in_dim3A_540 = vector.broadcast %broadcast_in_dim3A_539 : f32 to vector<16xf32>
    %get3A_541 = arith.constant 16 : index
    %get3A_542 = tpu.vector_load %arg5[%get3A_541] {strides = array<i32>} : memref<64xi32, #tpu.memory_space<vmem>>, vector<16xi32>,
    %get3A_543 = vector.shape_cast %get3A_542 : vector<16xi32> to vector<16xi32>
    %get3A_544 = arith.constant 16 : index
    %get3A_545 = tpu.vector_load %arg6[%get3A_544] {strides = array<i32>} : memref<64xf32, #tpu.memory_space<vmem>>, vector<16xf32>,
    %get3A_546 = vector.shape_cast %get3A_545 : vector<16xf32> to vector<16xf32>
    %eq3A_547 = arith.constant 8 : i32
    %eq3A_548 = vector.broadcast %eq3A_547 : i32 to vector<16xi32>
    %eq3A_549 = arith.cmpi eq, %get3A_543, %eq3A_548 : vector<16xi32>
    %jit3A_550 = arith.constant 0.000000e+00 : f32
    %broadcast_in_dim3A_551 = vector.broadcast %jit3A_550 : f32 to vector<16xf32>
    %select_n3A_552 = arith.select %eq3A_549, %get3A_546, %broadcast_in_dim3A_551 : vector<16xi1>, vector<16xf32>
    %add3A_553 = arith.addf %broadcast_in_dim3A_540, %select_n3A_552 : vector<16xf32>
    %get3A_554 = arith.constant 48 : index
    %get3A_555 = tpu.vector_load %arg5[%get3A_554] {strides = array<i32>} : memref<64xi32, #tpu.memory_space<vmem>>, vector<16xi32>,
    %get3A_556 = vector.shape_cast %get3A_555 : vector<16xi32> to vector<16xi32>
    %get3A_557 = arith.constant 48 : index
    %get3A_558 = tpu.vector_load %arg6[%get3A_557] {strides = array<i32>} : memref<64xf32, #tpu.memory_space<vmem>>, vector<16xf32>,
    %get3A_559 = vector.shape_cast %get3A_558 : vector<16xf32> to vector<16xf32>
    %eq3A_560 = arith.constant 8 : i32
    %eq3A_561 = vector.broadcast %eq3A_560 : i32 to vector<16xi32>
    %eq3A_562 = arith.cmpi eq, %get3A_556, %eq3A_561 : vector<16xi32>
    %jit3A_563 = arith.constant 0.000000e+00 : f32
    %broadcast_in_dim3A_564 = vector.broadcast %jit3A_563 : f32 to vector<16xf32>
    %select_n3A_565 = arith.select %eq3A_562, %get3A_559, %broadcast_in_dim3A_564 : vector<16xi1>, vector<16xf32>
    %add3A_566 = arith.addf %add3A_553, %select_n3A_565 : vector<16xf32>
    %swap3A_567 = arith.constant 272 : index
    %swap3A_568 = tpu.vector_load %arg7[%swap3A_567] {strides = array<i32>} : memref<512xf32, #tpu.memory_space<vmem>>, vector<16xf32>,
    %swap3A_569 = vector.shape_cast %swap3A_568 : vector<16xf32> to vector<16xf32>
    %swap3A_570 = vector.shape_cast %add3A_566 : vector<16xf32> to vector<16xf32>
    tpu.vector_store %arg7[%swap3A_567], %swap3A_570 {strides = array<i32>} : memref<512xf32, #tpu.memory_space<vmem>>, vector<16xf32>,
    %broadcast_in_dim3A_571 = arith.constant 0.000000e+00 : f32
    %broadcast_in_dim3A_572 = vector.broadcast %broadcast_in_dim3A_571 : f32 to vector<16xf32>
    %get3A_573 = arith.constant 0 : index
    %get3A_574 = tpu.vector_load %arg5[%get3A_573] {strides = array<i32>} : memref<64xi32, #tpu.memory_space<vmem>>, vector<16xi32>,
    %get3A_575 = vector.shape_cast %get3A_574 : vector<16xi32> to vector<16xi32>
    %get3A_576 = arith.constant 0 : index
    %get3A_577 = tpu.vector_load %arg6[%get3A_576] {strides = array<i32>} : memref<64xf32, #tpu.memory_space<vmem>>, vector<16xf32>,
    %get3A_578 = vector.shape_cast %get3A_577 : vector<16xf32> to vector<16xf32>
    %eq3A_579 = arith.constant 9 : i32
    %eq3A_580 = vector.broadcast %eq3A_579 : i32 to vector<16xi32>
    %eq3A_581 = arith.cmpi eq, %get3A_575, %eq3A_580 : vector<16xi32>
    %jit3A_582 = arith.constant 0.000000e+00 : f32
    %broadcast_in_dim3A_583 = vector.broadcast %jit3A_582 : f32 to vector<16xf32>
    %select_n3A_584 = arith.select %eq3A_581, %get3A_578, %broadcast_in_dim3A_583 : vector<16xi1>, vector<16xf32>
    %add3A_585 = arith.addf %broadcast_in_dim3A_572, %select_n3A_584 : vector<16xf32>
    %get3A_586 = arith.constant 32 : index
    %get3A_587 = tpu.vector_load %arg5[%get3A_586] {strides = array<i32>} : memref<64xi32, #tpu.memory_space<vmem>>, vector<16xi32>,
    %get3A_588 = vector.shape_cast %get3A_587 : vector<16xi32> to vector<16xi32>
    %get3A_589 = arith.constant 32 : index
    %get3A_590 = tpu.vector_load %arg6[%get3A_589] {strides = array<i32>} : memref<64xf32, #tpu.memory_space<vmem>>, vector<16xf32>,
    %get3A_591 = vector.shape_cast %get3A_590 : vector<16xf32> to vector<16xf32>
    %eq3A_592 = arith.constant 9 : i32
    %eq3A_593 = vector.broadcast %eq3A_592 : i32 to vector<16xi32>
    %eq3A_594 = arith.cmpi eq, %get3A_588, %eq3A_593 : vector<16xi32>
    %jit3A_595 = arith.constant 0.000000e+00 : f32
    %broadcast_in_dim3A_596 = vector.broadcast %jit3A_595 : f32 to vector<16xf32>
    %select_n3A_597 = arith.select %eq3A_594, %get3A_591, %broadcast_in_dim3A_596 : vector<16xi1>, vector<16xf32>
    %add3A_598 = arith.addf %add3A_585, %select_n3A_597 : vector<16xf32>
    %swap3A_599 = arith.constant 288 : index
    %swap3A_600 = tpu.vector_load %arg7[%swap3A_599] {strides = array<i32>} : memref<512xf32, #tpu.memory_space<vmem>>, vector<16xf32>,
    %swap3A_601 = vector.shape_cast %swap3A_600 : vector<16xf32> to vector<16xf32>
    %swap3A_602 = vector.shape_cast %add3A_598 : vector<16xf32> to vector<16xf32>
    tpu.vector_store %arg7[%swap3A_599], %swap3A_602 {strides = array<i32>} : memref<512xf32, #tpu.memory_space<vmem>>, vector<16xf32>,
    %broadcast_in_dim3A_603 = arith.constant 0.000000e+00 : f32
    %broadcast_in_dim3A_604 = vector.broadcast %broadcast_in_dim3A_603 : f32 to vector<16xf32>
    %get3A_605 = arith.constant 16 : index
    %get3A_606 = tpu.vector_load %arg5[%get3A_605] {strides = array<i32>} : memref<64xi32, #tpu.memory_space<vmem>>, vector<16xi32>,
    %get3A_607 = vector.shape_cast %get3A_606 : vector<16xi32> to vector<16xi32>
    %get3A_608 = arith.constant 16 : index
    %get3A_609 = tpu.vector_load %arg6[%get3A_608] {strides = array<i32>} : memref<64xf32, #tpu.memory_space<vmem>>, vector<16xf32>,
    %get3A_610 = vector.shape_cast %get3A_609 : vector<16xf32> to vector<16xf32>
    %eq3A_611 = arith.constant 9 : i32
    %eq3A_612 = vector.broadcast %eq3A_611 : i32 to vector<16xi32>
    %eq3A_613 = arith.cmpi eq, %get3A_607, %eq3A_612 : vector<16xi32>
    %jit3A_614 = arith.constant 0.000000e+00 : f32
    %broadcast_in_dim3A_615 = vector.broadcast %jit3A_614 : f32 to vector<16xf32>
    %select_n3A_616 = arith.select %eq3A_613, %get3A_610, %broadcast_in_dim3A_615 : vector<16xi1>, vector<16xf32>
    %add3A_617 = arith.addf %broadcast_in_dim3A_604, %select_n3A_616 : vector<16xf32>
    %get3A_618 = arith.constant 48 : index
    %get3A_619 = tpu.vector_load %arg5[%get3A_618] {strides = array<i32>} : memref<64xi32, #tpu.memory_space<vmem>>, vector<16xi32>,
    %get3A_620 = vector.shape_cast %get3A_619 : vector<16xi32> to vector<16xi32>
    %get3A_621 = arith.constant 48 : index
    %get3A_622 = tpu.vector_load %arg6[%get3A_621] {strides = array<i32>} : memref<64xf32, #tpu.memory_space<vmem>>, vector<16xf32>,
    %get3A_623 = vector.shape_cast %get3A_622 : vector<16xf32> to vector<16xf32>
    %eq3A_624 = arith.constant 9 : i32
    %eq3A_625 = vector.broadcast %eq3A_624 : i32 to vector<16xi32>
    %eq3A_626 = arith.cmpi eq, %get3A_620, %eq3A_625 : vector<16xi32>
    %jit3A_627 = arith.constant 0.000000e+00 : f32
    %broadcast_in_dim3A_628 = vector.broadcast %jit3A_627 : f32 to vector<16xf32>
    %select_n3A_629 = arith.select %eq3A_626, %get3A_623, %broadcast_in_dim3A_628 : vector<16xi1>, vector<16xf32>
    %add3A_630 = arith.addf %add3A_617, %select_n3A_629 : vector<16xf32>
    %swap3A_631 = arith.constant 304 : index
    %swap3A_632 = tpu.vector_load %arg7[%swap3A_631] {strides = array<i32>} : memref<512xf32, #tpu.memory_space<vmem>>, vector<16xf32>,
    %swap3A_633 = vector.shape_cast %swap3A_632 : vector<16xf32> to vector<16xf32>
    %swap3A_634 = vector.shape_cast %add3A_630 : vector<16xf32> to vector<16xf32>
    tpu.vector_store %arg7[%swap3A_631], %swap3A_634 {strides = array<i32>} : memref<512xf32, #tpu.memory_space<vmem>>, vector<16xf32>,
    %broadcast_in_dim3A_635 = arith.constant 0.000000e+00 : f32
    %broadcast_in_dim3A_636 = vector.broadcast %broadcast_in_dim3A_635 : f32 to vector<16xf32>
    %get3A_637 = arith.constant 0 : index
    %get3A_638 = tpu.vector_load %arg5[%get3A_637] {strides = array<i32>} : memref<64xi32, #tpu.memory_space<vmem>>, vector<16xi32>,
    %get3A_639 = vector.shape_cast %get3A_638 : vector<16xi32> to vector<16xi32>
    %get3A_640 = arith.constant 0 : index
    %get3A_641 = tpu.vector_load %arg6[%get3A_640] {strides = array<i32>} : memref<64xf32, #tpu.memory_space<vmem>>, vector<16xf32>,
    %get3A_642 = vector.shape_cast %get3A_641 : vector<16xf32> to vector<16xf32>
    %eq3A_643 = arith.constant 10 : i32
    %eq3A_644 = vector.broadcast %eq3A_643 : i32 to vector<16xi32>
    %eq3A_645 = arith.cmpi eq, %get3A_639, %eq3A_644 : vector<16xi32>
    %jit3A_646 = arith.constant 0.000000e+00 : f32
    %broadcast_in_dim3A_647 = vector.broadcast %jit3A_646 : f32 to vector<16xf32>
    %select_n3A_648 = arith.select %eq3A_645, %get3A_642, %broadcast_in_dim3A_647 : vector<16xi1>, vector<16xf32>
    %add3A_649 = arith.addf %broadcast_in_dim3A_636, %select_n3A_648 : vector<16xf32>
    %get3A_650 = arith.constant 32 : index
    %get3A_651 = tpu.vector_load %arg5[%get3A_650] {strides = array<i32>} : memref<64xi32, #tpu.memory_space<vmem>>, vector<16xi32>,
    %get3A_652 = vector.shape_cast %get3A_651 : vector<16xi32> to vector<16xi32>
    %get3A_653 = arith.constant 32 : index
    %get3A_654 = tpu.vector_load %arg6[%get3A_653] {strides = array<i32>} : memref<64xf32, #tpu.memory_space<vmem>>, vector<16xf32>,
    %get3A_655 = vector.shape_cast %get3A_654 : vector<16xf32> to vector<16xf32>
    %eq3A_656 = arith.constant 10 : i32
    %eq3A_657 = vector.broadcast %eq3A_656 : i32 to vector<16xi32>
    %eq3A_658 = arith.cmpi eq, %get3A_652, %eq3A_657 : vector<16xi32>
    %jit3A_659 = arith.constant 0.000000e+00 : f32
    %broadcast_in_dim3A_660 = vector.broadcast %jit3A_659 : f32 to vector<16xf32>
    %select_n3A_661 = arith.select %eq3A_658, %get3A_655, %broadcast_in_dim3A_660 : vector<16xi1>, vector<16xf32>
    %add3A_662 = arith.addf %add3A_649, %select_n3A_661 : vector<16xf32>
    %swap3A_663 = arith.constant 320 : index
    %swap3A_664 = tpu.vector_load %arg7[%swap3A_663] {strides = array<i32>} : memref<512xf32, #tpu.memory_space<vmem>>, vector<16xf32>,
    %swap3A_665 = vector.shape_cast %swap3A_664 : vector<16xf32> to vector<16xf32>
    %swap3A_666 = vector.shape_cast %add3A_662 : vector<16xf32> to vector<16xf32>
    tpu.vector_store %arg7[%swap3A_663], %swap3A_666 {strides = array<i32>} : memref<512xf32, #tpu.memory_space<vmem>>, vector<16xf32>,
    %broadcast_in_dim3A_667 = arith.constant 0.000000e+00 : f32
    %broadcast_in_dim3A_668 = vector.broadcast %broadcast_in_dim3A_667 : f32 to vector<16xf32>
    %get3A_669 = arith.constant 16 : index
    %get3A_670 = tpu.vector_load %arg5[%get3A_669] {strides = array<i32>} : memref<64xi32, #tpu.memory_space<vmem>>, vector<16xi32>,
    %get3A_671 = vector.shape_cast %get3A_670 : vector<16xi32> to vector<16xi32>
    %get3A_672 = arith.constant 16 : index
    %get3A_673 = tpu.vector_load %arg6[%get3A_672] {strides = array<i32>} : memref<64xf32, #tpu.memory_space<vmem>>, vector<16xf32>,
    %get3A_674 = vector.shape_cast %get3A_673 : vector<16xf32> to vector<16xf32>
    %eq3A_675 = arith.constant 10 : i32
    %eq3A_676 = vector.broadcast %eq3A_675 : i32 to vector<16xi32>
    %eq3A_677 = arith.cmpi eq, %get3A_671, %eq3A_676 : vector<16xi32>
    %jit3A_678 = arith.constant 0.000000e+00 : f32
    %broadcast_in_dim3A_679 = vector.broadcast %jit3A_678 : f32 to vector<16xf32>
    %select_n3A_680 = arith.select %eq3A_677, %get3A_674, %broadcast_in_dim3A_679 : vector<16xi1>, vector<16xf32>
    %add3A_681 = arith.addf %broadcast_in_dim3A_668, %select_n3A_680 : vector<16xf32>
    %get3A_682 = arith.constant 48 : index
    %get3A_683 = tpu.vector_load %arg5[%get3A_682] {strides = array<i32>} : memref<64xi32, #tpu.memory_space<vmem>>, vector<16xi32>,
    %get3A_684 = vector.shape_cast %get3A_683 : vector<16xi32> to vector<16xi32>
    %get3A_685 = arith.constant 48 : index
    %get3A_686 = tpu.vector_load %arg6[%get3A_685] {strides = array<i32>} : memref<64xf32, #tpu.memory_space<vmem>>, vector<16xf32>,
    %get3A_687 = vector.shape_cast %get3A_686 : vector<16xf32> to vector<16xf32>
    %eq3A_688 = arith.constant 10 : i32
    %eq3A_689 = vector.broadcast %eq3A_688 : i32 to vector<16xi32>
    %eq3A_690 = arith.cmpi eq, %get3A_684, %eq3A_689 : vector<16xi32>
    %jit3A_691 = arith.constant 0.000000e+00 : f32
    %broadcast_in_dim3A_692 = vector.broadcast %jit3A_691 : f32 to vector<16xf32>
    %select_n3A_693 = arith.select %eq3A_690, %get3A_687, %broadcast_in_dim3A_692 : vector<16xi1>, vector<16xf32>
    %add3A_694 = arith.addf %add3A_681, %select_n3A_693 : vector<16xf32>
    %swap3A_695 = arith.constant 336 : index
    %swap3A_696 = tpu.vector_load %arg7[%swap3A_695] {strides = array<i32>} : memref<512xf32, #tpu.memory_space<vmem>>, vector<16xf32>,
    %swap3A_697 = vector.shape_cast %swap3A_696 : vector<16xf32> to vector<16xf32>
    %swap3A_698 = vector.shape_cast %add3A_694 : vector<16xf32> to vector<16xf32>
    tpu.vector_store %arg7[%swap3A_695], %swap3A_698 {strides = array<i32>} : memref<512xf32, #tpu.memory_space<vmem>>, vector<16xf32>,
    %broadcast_in_dim3A_699 = arith.constant 0.000000e+00 : f32
    %broadcast_in_dim3A_700 = vector.broadcast %broadcast_in_dim3A_699 : f32 to vector<16xf32>
    %get3A_701 = arith.constant 0 : index
    %get3A_702 = tpu.vector_load %arg5[%get3A_701] {strides = array<i32>} : memref<64xi32, #tpu.memory_space<vmem>>, vector<16xi32>,
    %get3A_703 = vector.shape_cast %get3A_702 : vector<16xi32> to vector<16xi32>
    %get3A_704 = arith.constant 0 : index
    %get3A_705 = tpu.vector_load %arg6[%get3A_704] {strides = array<i32>} : memref<64xf32, #tpu.memory_space<vmem>>, vector<16xf32>,
    %get3A_706 = vector.shape_cast %get3A_705 : vector<16xf32> to vector<16xf32>
    %eq3A_707 = arith.constant 11 : i32
    %eq3A_708 = vector.broadcast %eq3A_707 : i32 to vector<16xi32>
    %eq3A_709 = arith.cmpi eq, %get3A_703, %eq3A_708 : vector<16xi32>
    %jit3A_710 = arith.constant 0.000000e+00 : f32
    %broadcast_in_dim3A_711 = vector.broadcast %jit3A_710 : f32 to vector<16xf32>
    %select_n3A_712 = arith.select %eq3A_709, %get3A_706, %broadcast_in_dim3A_711 : vector<16xi1>, vector<16xf32>
    %add3A_713 = arith.addf %broadcast_in_dim3A_700, %select_n3A_712 : vector<16xf32>
    %get3A_714 = arith.constant 32 : index
    %get3A_715 = tpu.vector_load %arg5[%get3A_714] {strides = array<i32>} : memref<64xi32, #tpu.memory_space<vmem>>, vector<16xi32>,
    %get3A_716 = vector.shape_cast %get3A_715 : vector<16xi32> to vector<16xi32>
    %get3A_717 = arith.constant 32 : index
    %get3A_718 = tpu.vector_load %arg6[%get3A_717] {strides = array<i32>} : memref<64xf32, #tpu.memory_space<vmem>>, vector<16xf32>,
    %get3A_719 = vector.shape_cast %get3A_718 : vector<16xf32> to vector<16xf32>
    %eq3A_720 = arith.constant 11 : i32
    %eq3A_721 = vector.broadcast %eq3A_720 : i32 to vector<16xi32>
    %eq3A_722 = arith.cmpi eq, %get3A_716, %eq3A_721 : vector<16xi32>
    %jit3A_723 = arith.constant 0.000000e+00 : f32
    %broadcast_in_dim3A_724 = vector.broadcast %jit3A_723 : f32 to vector<16xf32>
    %select_n3A_725 = arith.select %eq3A_722, %get3A_719, %broadcast_in_dim3A_724 : vector<16xi1>, vector<16xf32>
    %add3A_726 = arith.addf %add3A_713, %select_n3A_725 : vector<16xf32>
    %swap3A_727 = arith.constant 352 : index
    %swap3A_728 = tpu.vector_load %arg7[%swap3A_727] {strides = array<i32>} : memref<512xf32, #tpu.memory_space<vmem>>, vector<16xf32>,
    %swap3A_729 = vector.shape_cast %swap3A_728 : vector<16xf32> to vector<16xf32>
    %swap3A_730 = vector.shape_cast %add3A_726 : vector<16xf32> to vector<16xf32>
    tpu.vector_store %arg7[%swap3A_727], %swap3A_730 {strides = array<i32>} : memref<512xf32, #tpu.memory_space<vmem>>, vector<16xf32>,
    %broadcast_in_dim3A_731 = arith.constant 0.000000e+00 : f32
    %broadcast_in_dim3A_732 = vector.broadcast %broadcast_in_dim3A_731 : f32 to vector<16xf32>
    %get3A_733 = arith.constant 16 : index
    %get3A_734 = tpu.vector_load %arg5[%get3A_733] {strides = array<i32>} : memref<64xi32, #tpu.memory_space<vmem>>, vector<16xi32>,
    %get3A_735 = vector.shape_cast %get3A_734 : vector<16xi32> to vector<16xi32>
    %get3A_736 = arith.constant 16 : index
    %get3A_737 = tpu.vector_load %arg6[%get3A_736] {strides = array<i32>} : memref<64xf32, #tpu.memory_space<vmem>>, vector<16xf32>,
    %get3A_738 = vector.shape_cast %get3A_737 : vector<16xf32> to vector<16xf32>
    %eq3A_739 = arith.constant 11 : i32
    %eq3A_740 = vector.broadcast %eq3A_739 : i32 to vector<16xi32>
    %eq3A_741 = arith.cmpi eq, %get3A_735, %eq3A_740 : vector<16xi32>
    %jit3A_742 = arith.constant 0.000000e+00 : f32
    %broadcast_in_dim3A_743 = vector.broadcast %jit3A_742 : f32 to vector<16xf32>
    %select_n3A_744 = arith.select %eq3A_741, %get3A_738, %broadcast_in_dim3A_743 : vector<16xi1>, vector<16xf32>
    %add3A_745 = arith.addf %broadcast_in_dim3A_732, %select_n3A_744 : vector<16xf32>
    %get3A_746 = arith.constant 48 : index
    %get3A_747 = tpu.vector_load %arg5[%get3A_746] {strides = array<i32>} : memref<64xi32, #tpu.memory_space<vmem>>, vector<16xi32>,
    %get3A_748 = vector.shape_cast %get3A_747 : vector<16xi32> to vector<16xi32>
    %get3A_749 = arith.constant 48 : index
    %get3A_750 = tpu.vector_load %arg6[%get3A_749] {strides = array<i32>} : memref<64xf32, #tpu.memory_space<vmem>>, vector<16xf32>,
    %get3A_751 = vector.shape_cast %get3A_750 : vector<16xf32> to vector<16xf32>
    %eq3A_752 = arith.constant 11 : i32
    %eq3A_753 = vector.broadcast %eq3A_752 : i32 to vector<16xi32>
    %eq3A_754 = arith.cmpi eq, %get3A_748, %eq3A_753 : vector<16xi32>
    %jit3A_755 = arith.constant 0.000000e+00 : f32
    %broadcast_in_dim3A_756 = vector.broadcast %jit3A_755 : f32 to vector<16xf32>
    %select_n3A_757 = arith.select %eq3A_754, %get3A_751, %broadcast_in_dim3A_756 : vector<16xi1>, vector<16xf32>
    %add3A_758 = arith.addf %add3A_745, %select_n3A_757 : vector<16xf32>
    %swap3A_759 = arith.constant 368 : index
    %swap3A_760 = tpu.vector_load %arg7[%swap3A_759] {strides = array<i32>} : memref<512xf32, #tpu.memory_space<vmem>>, vector<16xf32>,
    %swap3A_761 = vector.shape_cast %swap3A_760 : vector<16xf32> to vector<16xf32>
    %swap3A_762 = vector.shape_cast %add3A_758 : vector<16xf32> to vector<16xf32>
    tpu.vector_store %arg7[%swap3A_759], %swap3A_762 {strides = array<i32>} : memref<512xf32, #tpu.memory_space<vmem>>, vector<16xf32>,
    %broadcast_in_dim3A_763 = arith.constant 0.000000e+00 : f32
    %broadcast_in_dim3A_764 = vector.broadcast %broadcast_in_dim3A_763 : f32 to vector<16xf32>
    %get3A_765 = arith.constant 0 : index
    %get3A_766 = tpu.vector_load %arg5[%get3A_765] {strides = array<i32>} : memref<64xi32, #tpu.memory_space<vmem>>, vector<16xi32>,
    %get3A_767 = vector.shape_cast %get3A_766 : vector<16xi32> to vector<16xi32>
    %get3A_768 = arith.constant 0 : index
    %get3A_769 = tpu.vector_load %arg6[%get3A_768] {strides = array<i32>} : memref<64xf32, #tpu.memory_space<vmem>>, vector<16xf32>,
    %get3A_770 = vector.shape_cast %get3A_769 : vector<16xf32> to vector<16xf32>
    %eq3A_771 = arith.constant 12 : i32
    %eq3A_772 = vector.broadcast %eq3A_771 : i32 to vector<16xi32>
    %eq3A_773 = arith.cmpi eq, %get3A_767, %eq3A_772 : vector<16xi32>
    %jit3A_774 = arith.constant 0.000000e+00 : f32
    %broadcast_in_dim3A_775 = vector.broadcast %jit3A_774 : f32 to vector<16xf32>
    %select_n3A_776 = arith.select %eq3A_773, %get3A_770, %broadcast_in_dim3A_775 : vector<16xi1>, vector<16xf32>
    %add3A_777 = arith.addf %broadcast_in_dim3A_764, %select_n3A_776 : vector<16xf32>
    %get3A_778 = arith.constant 32 : index
    %get3A_779 = tpu.vector_load %arg5[%get3A_778] {strides = array<i32>} : memref<64xi32, #tpu.memory_space<vmem>>, vector<16xi32>,
    %get3A_780 = vector.shape_cast %get3A_779 : vector<16xi32> to vector<16xi32>
    %get3A_781 = arith.constant 32 : index
    %get3A_782 = tpu.vector_load %arg6[%get3A_781] {strides = array<i32>} : memref<64xf32, #tpu.memory_space<vmem>>, vector<16xf32>,
    %get3A_783 = vector.shape_cast %get3A_782 : vector<16xf32> to vector<16xf32>
    %eq3A_784 = arith.constant 12 : i32
    %eq3A_785 = vector.broadcast %eq3A_784 : i32 to vector<16xi32>
    %eq3A_786 = arith.cmpi eq, %get3A_780, %eq3A_785 : vector<16xi32>
    %jit3A_787 = arith.constant 0.000000e+00 : f32
    %broadcast_in_dim3A_788 = vector.broadcast %jit3A_787 : f32 to vector<16xf32>
    %select_n3A_789 = arith.select %eq3A_786, %get3A_783, %broadcast_in_dim3A_788 : vector<16xi1>, vector<16xf32>
    %add3A_790 = arith.addf %add3A_777, %select_n3A_789 : vector<16xf32>
    %swap3A_791 = arith.constant 384 : index
    %swap3A_792 = tpu.vector_load %arg7[%swap3A_791] {strides = array<i32>} : memref<512xf32, #tpu.memory_space<vmem>>, vector<16xf32>,
    %swap3A_793 = vector.shape_cast %swap3A_792 : vector<16xf32> to vector<16xf32>
    %swap3A_794 = vector.shape_cast %add3A_790 : vector<16xf32> to vector<16xf32>
    tpu.vector_store %arg7[%swap3A_791], %swap3A_794 {strides = array<i32>} : memref<512xf32, #tpu.memory_space<vmem>>, vector<16xf32>,
    %broadcast_in_dim3A_795 = arith.constant 0.000000e+00 : f32
    %broadcast_in_dim3A_796 = vector.broadcast %broadcast_in_dim3A_795 : f32 to vector<16xf32>
    %get3A_797 = arith.constant 16 : index
    %get3A_798 = tpu.vector_load %arg5[%get3A_797] {strides = array<i32>} : memref<64xi32, #tpu.memory_space<vmem>>, vector<16xi32>,
    %get3A_799 = vector.shape_cast %get3A_798 : vector<16xi32> to vector<16xi32>
    %get3A_800 = arith.constant 16 : index
    %get3A_801 = tpu.vector_load %arg6[%get3A_800] {strides = array<i32>} : memref<64xf32, #tpu.memory_space<vmem>>, vector<16xf32>,
    %get3A_802 = vector.shape_cast %get3A_801 : vector<16xf32> to vector<16xf32>
    %eq3A_803 = arith.constant 12 : i32
    %eq3A_804 = vector.broadcast %eq3A_803 : i32 to vector<16xi32>
    %eq3A_805 = arith.cmpi eq, %get3A_799, %eq3A_804 : vector<16xi32>
    %jit3A_806 = arith.constant 0.000000e+00 : f32
    %broadcast_in_dim3A_807 = vector.broadcast %jit3A_806 : f32 to vector<16xf32>
    %select_n3A_808 = arith.select %eq3A_805, %get3A_802, %broadcast_in_dim3A_807 : vector<16xi1>, vector<16xf32>
    %add3A_809 = arith.addf %broadcast_in_dim3A_796, %select_n3A_808 : vector<16xf32>
    %get3A_810 = arith.constant 48 : index
    %get3A_811 = tpu.vector_load %arg5[%get3A_810] {strides = array<i32>} : memref<64xi32, #tpu.memory_space<vmem>>, vector<16xi32>,
    %get3A_812 = vector.shape_cast %get3A_811 : vector<16xi32> to vector<16xi32>
    %get3A_813 = arith.constant 48 : index
    %get3A_814 = tpu.vector_load %arg6[%get3A_813] {strides = array<i32>} : memref<64xf32, #tpu.memory_space<vmem>>, vector<16xf32>,
    %get3A_815 = vector.shape_cast %get3A_814 : vector<16xf32> to vector<16xf32>
    %eq3A_816 = arith.constant 12 : i32
    %eq3A_817 = vector.broadcast %eq3A_816 : i32 to vector<16xi32>
    %eq3A_818 = arith.cmpi eq, %get3A_812, %eq3A_817 : vector<16xi32>
    %jit3A_819 = arith.constant 0.000000e+00 : f32
    %broadcast_in_dim3A_820 = vector.broadcast %jit3A_819 : f32 to vector<16xf32>
    %select_n3A_821 = arith.select %eq3A_818, %get3A_815, %broadcast_in_dim3A_820 : vector<16xi1>, vector<16xf32>
    %add3A_822 = arith.addf %add3A_809, %select_n3A_821 : vector<16xf32>
    %swap3A_823 = arith.constant 400 : index
    %swap3A_824 = tpu.vector_load %arg7[%swap3A_823] {strides = array<i32>} : memref<512xf32, #tpu.memory_space<vmem>>, vector<16xf32>,
    %swap3A_825 = vector.shape_cast %swap3A_824 : vector<16xf32> to vector<16xf32>
    %swap3A_826 = vector.shape_cast %add3A_822 : vector<16xf32> to vector<16xf32>
    tpu.vector_store %arg7[%swap3A_823], %swap3A_826 {strides = array<i32>} : memref<512xf32, #tpu.memory_space<vmem>>, vector<16xf32>,
    %broadcast_in_dim3A_827 = arith.constant 0.000000e+00 : f32
    %broadcast_in_dim3A_828 = vector.broadcast %broadcast_in_dim3A_827 : f32 to vector<16xf32>
    %get3A_829 = arith.constant 0 : index
    %get3A_830 = tpu.vector_load %arg5[%get3A_829] {strides = array<i32>} : memref<64xi32, #tpu.memory_space<vmem>>, vector<16xi32>,
    %get3A_831 = vector.shape_cast %get3A_830 : vector<16xi32> to vector<16xi32>
    %get3A_832 = arith.constant 0 : index
    %get3A_833 = tpu.vector_load %arg6[%get3A_832] {strides = array<i32>} : memref<64xf32, #tpu.memory_space<vmem>>, vector<16xf32>,
    %get3A_834 = vector.shape_cast %get3A_833 : vector<16xf32> to vector<16xf32>
    %eq3A_835 = arith.constant 13 : i32
    %eq3A_836 = vector.broadcast %eq3A_835 : i32 to vector<16xi32>
    %eq3A_837 = arith.cmpi eq, %get3A_831, %eq3A_836 : vector<16xi32>
    %jit3A_838 = arith.constant 0.000000e+00 : f32
    %broadcast_in_dim3A_839 = vector.broadcast %jit3A_838 : f32 to vector<16xf32>
    %select_n3A_840 = arith.select %eq3A_837, %get3A_834, %broadcast_in_dim3A_839 : vector<16xi1>, vector<16xf32>
    %add3A_841 = arith.addf %broadcast_in_dim3A_828, %select_n3A_840 : vector<16xf32>
    %get3A_842 = arith.constant 32 : index
    %get3A_843 = tpu.vector_load %arg5[%get3A_842] {strides = array<i32>} : memref<64xi32, #tpu.memory_space<vmem>>, vector<16xi32>,
    %get3A_844 = vector.shape_cast %get3A_843 : vector<16xi32> to vector<16xi32>
    %get3A_845 = arith.constant 32 : index
    %get3A_846 = tpu.vector_load %arg6[%get3A_845] {strides = array<i32>} : memref<64xf32, #tpu.memory_space<vmem>>, vector<16xf32>,
    %get3A_847 = vector.shape_cast %get3A_846 : vector<16xf32> to vector<16xf32>
    %eq3A_848 = arith.constant 13 : i32
    %eq3A_849 = vector.broadcast %eq3A_848 : i32 to vector<16xi32>
    %eq3A_850 = arith.cmpi eq, %get3A_844, %eq3A_849 : vector<16xi32>
    %jit3A_851 = arith.constant 0.000000e+00 : f32
    %broadcast_in_dim3A_852 = vector.broadcast %jit3A_851 : f32 to vector<16xf32>
    %select_n3A_853 = arith.select %eq3A_850, %get3A_847, %broadcast_in_dim3A_852 : vector<16xi1>, vector<16xf32>
    %add3A_854 = arith.addf %add3A_841, %select_n3A_853 : vector<16xf32>
    %swap3A_855 = arith.constant 416 : index
    %swap3A_856 = tpu.vector_load %arg7[%swap3A_855] {strides = array<i32>} : memref<512xf32, #tpu.memory_space<vmem>>, vector<16xf32>,
    %swap3A_857 = vector.shape_cast %swap3A_856 : vector<16xf32> to vector<16xf32>
    %swap3A_858 = vector.shape_cast %add3A_854 : vector<16xf32> to vector<16xf32>
    tpu.vector_store %arg7[%swap3A_855], %swap3A_858 {strides = array<i32>} : memref<512xf32, #tpu.memory_space<vmem>>, vector<16xf32>,
    %broadcast_in_dim3A_859 = arith.constant 0.000000e+00 : f32
    %broadcast_in_dim3A_860 = vector.broadcast %broadcast_in_dim3A_859 : f32 to vector<16xf32>
    %get3A_861 = arith.constant 16 : index
    %get3A_862 = tpu.vector_load %arg5[%get3A_861] {strides = array<i32>} : memref<64xi32, #tpu.memory_space<vmem>>, vector<16xi32>,
    %get3A_863 = vector.shape_cast %get3A_862 : vector<16xi32> to vector<16xi32>
    %get3A_864 = arith.constant 16 : index
    %get3A_865 = tpu.vector_load %arg6[%get3A_864] {strides = array<i32>} : memref<64xf32, #tpu.memory_space<vmem>>, vector<16xf32>,
    %get3A_866 = vector.shape_cast %get3A_865 : vector<16xf32> to vector<16xf32>
    %eq3A_867 = arith.constant 13 : i32
    %eq3A_868 = vector.broadcast %eq3A_867 : i32 to vector<16xi32>
    %eq3A_869 = arith.cmpi eq, %get3A_863, %eq3A_868 : vector<16xi32>
    %jit3A_870 = arith.constant 0.000000e+00 : f32
    %broadcast_in_dim3A_871 = vector.broadcast %jit3A_870 : f32 to vector<16xf32>
    %select_n3A_872 = arith.select %eq3A_869, %get3A_866, %broadcast_in_dim3A_871 : vector<16xi1>, vector<16xf32>
    %add3A_873 = arith.addf %broadcast_in_dim3A_860, %select_n3A_872 : vector<16xf32>
    %get3A_874 = arith.constant 48 : index
    %get3A_875 = tpu.vector_load %arg5[%get3A_874] {strides = array<i32>} : memref<64xi32, #tpu.memory_space<vmem>>, vector<16xi32>,
    %get3A_876 = vector.shape_cast %get3A_875 : vector<16xi32> to vector<16xi32>
    %get3A_877 = arith.constant 48 : index
    %get3A_878 = tpu.vector_load %arg6[%get3A_877] {strides = array<i32>} : memref<64xf32, #tpu.memory_space<vmem>>, vector<16xf32>,
    %get3A_879 = vector.shape_cast %get3A_878 : vector<16xf32> to vector<16xf32>
    %eq3A_880 = arith.constant 13 : i32
    %eq3A_881 = vector.broadcast %eq3A_880 : i32 to vector<16xi32>
    %eq3A_882 = arith.cmpi eq, %get3A_876, %eq3A_881 : vector<16xi32>
    %jit3A_883 = arith.constant 0.000000e+00 : f32
    %broadcast_in_dim3A_884 = vector.broadcast %jit3A_883 : f32 to vector<16xf32>
    %select_n3A_885 = arith.select %eq3A_882, %get3A_879, %broadcast_in_dim3A_884 : vector<16xi1>, vector<16xf32>
    %add3A_886 = arith.addf %add3A_873, %select_n3A_885 : vector<16xf32>
    %swap3A_887 = arith.constant 432 : index
    %swap3A_888 = tpu.vector_load %arg7[%swap3A_887] {strides = array<i32>} : memref<512xf32, #tpu.memory_space<vmem>>, vector<16xf32>,
    %swap3A_889 = vector.shape_cast %swap3A_888 : vector<16xf32> to vector<16xf32>
    %swap3A_890 = vector.shape_cast %add3A_886 : vector<16xf32> to vector<16xf32>
    tpu.vector_store %arg7[%swap3A_887], %swap3A_890 {strides = array<i32>} : memref<512xf32, #tpu.memory_space<vmem>>, vector<16xf32>,
    %broadcast_in_dim3A_891 = arith.constant 0.000000e+00 : f32
    %broadcast_in_dim3A_892 = vector.broadcast %broadcast_in_dim3A_891 : f32 to vector<16xf32>
    %get3A_893 = arith.constant 0 : index
    %get3A_894 = tpu.vector_load %arg5[%get3A_893] {strides = array<i32>} : memref<64xi32, #tpu.memory_space<vmem>>, vector<16xi32>,
    %get3A_895 = vector.shape_cast %get3A_894 : vector<16xi32> to vector<16xi32>
    %get3A_896 = arith.constant 0 : index
    %get3A_897 = tpu.vector_load %arg6[%get3A_896] {strides = array<i32>} : memref<64xf32, #tpu.memory_space<vmem>>, vector<16xf32>,
    %get3A_898 = vector.shape_cast %get3A_897 : vector<16xf32> to vector<16xf32>
    %eq3A_899 = arith.constant 14 : i32
    %eq3A_900 = vector.broadcast %eq3A_899 : i32 to vector<16xi32>
    %eq3A_901 = arith.cmpi eq, %get3A_895, %eq3A_900 : vector<16xi32>
    %jit3A_902 = arith.constant 0.000000e+00 : f32
    %broadcast_in_dim3A_903 = vector.broadcast %jit3A_902 : f32 to vector<16xf32>
    %select_n3A_904 = arith.select %eq3A_901, %get3A_898, %broadcast_in_dim3A_903 : vector<16xi1>, vector<16xf32>
    %add3A_905 = arith.addf %broadcast_in_dim3A_892, %select_n3A_904 : vector<16xf32>
    %get3A_906 = arith.constant 32 : index
    %get3A_907 = tpu.vector_load %arg5[%get3A_906] {strides = array<i32>} : memref<64xi32, #tpu.memory_space<vmem>>, vector<16xi32>,
    %get3A_908 = vector.shape_cast %get3A_907 : vector<16xi32> to vector<16xi32>
    %get3A_909 = arith.constant 32 : index
    %get3A_910 = tpu.vector_load %arg6[%get3A_909] {strides = array<i32>} : memref<64xf32, #tpu.memory_space<vmem>>, vector<16xf32>,
    %get3A_911 = vector.shape_cast %get3A_910 : vector<16xf32> to vector<16xf32>
    %eq3A_912 = arith.constant 14 : i32
    %eq3A_913 = vector.broadcast %eq3A_912 : i32 to vector<16xi32>
    %eq3A_914 = arith.cmpi eq, %get3A_908, %eq3A_913 : vector<16xi32>
    %jit3A_915 = arith.constant 0.000000e+00 : f32
    %broadcast_in_dim3A_916 = vector.broadcast %jit3A_915 : f32 to vector<16xf32>
    %select_n3A_917 = arith.select %eq3A_914, %get3A_911, %broadcast_in_dim3A_916 : vector<16xi1>, vector<16xf32>
    %add3A_918 = arith.addf %add3A_905, %select_n3A_917 : vector<16xf32>
    %swap3A_919 = arith.constant 448 : index
    %swap3A_920 = tpu.vector_load %arg7[%swap3A_919] {strides = array<i32>} : memref<512xf32, #tpu.memory_space<vmem>>, vector<16xf32>,
    %swap3A_921 = vector.shape_cast %swap3A_920 : vector<16xf32> to vector<16xf32>
    %swap3A_922 = vector.shape_cast %add3A_918 : vector<16xf32> to vector<16xf32>
    tpu.vector_store %arg7[%swap3A_919], %swap3A_922 {strides = array<i32>} : memref<512xf32, #tpu.memory_space<vmem>>, vector<16xf32>,
    %broadcast_in_dim3A_923 = arith.constant 0.000000e+00 : f32
    %broadcast_in_dim3A_924 = vector.broadcast %broadcast_in_dim3A_923 : f32 to vector<16xf32>
    %get3A_925 = arith.constant 16 : index
    %get3A_926 = tpu.vector_load %arg5[%get3A_925] {strides = array<i32>} : memref<64xi32, #tpu.memory_space<vmem>>, vector<16xi32>,
    %get3A_927 = vector.shape_cast %get3A_926 : vector<16xi32> to vector<16xi32>
    %get3A_928 = arith.constant 16 : index
    %get3A_929 = tpu.vector_load %arg6[%get3A_928] {strides = array<i32>} : memref<64xf32, #tpu.memory_space<vmem>>, vector<16xf32>,
    %get3A_930 = vector.shape_cast %get3A_929 : vector<16xf32> to vector<16xf32>
    %eq3A_931 = arith.constant 14 : i32
    %eq3A_932 = vector.broadcast %eq3A_931 : i32 to vector<16xi32>
    %eq3A_933 = arith.cmpi eq, %get3A_927, %eq3A_932 : vector<16xi32>
    %jit3A_934 = arith.constant 0.000000e+00 : f32
    %broadcast_in_dim3A_935 = vector.broadcast %jit3A_934 : f32 to vector<16xf32>
    %select_n3A_936 = arith.select %eq3A_933, %get3A_930, %broadcast_in_dim3A_935 : vector<16xi1>, vector<16xf32>
    %add3A_937 = arith.addf %broadcast_in_dim3A_924, %select_n3A_936 : vector<16xf32>
    %get3A_938 = arith.constant 48 : index
    %get3A_939 = tpu.vector_load %arg5[%get3A_938] {strides = array<i32>} : memref<64xi32, #tpu.memory_space<vmem>>, vector<16xi32>,
    %get3A_940 = vector.shape_cast %get3A_939 : vector<16xi32> to vector<16xi32>
    %get3A_941 = arith.constant 48 : index
    %get3A_942 = tpu.vector_load %arg6[%get3A_941] {strides = array<i32>} : memref<64xf32, #tpu.memory_space<vmem>>, vector<16xf32>,
    %get3A_943 = vector.shape_cast %get3A_942 : vector<16xf32> to vector<16xf32>
    %eq3A_944 = arith.constant 14 : i32
    %eq3A_945 = vector.broadcast %eq3A_944 : i32 to vector<16xi32>
    %eq3A_946 = arith.cmpi eq, %get3A_940, %eq3A_945 : vector<16xi32>
    %jit3A_947 = arith.constant 0.000000e+00 : f32
    %broadcast_in_dim3A_948 = vector.broadcast %jit3A_947 : f32 to vector<16xf32>
    %select_n3A_949 = arith.select %eq3A_946, %get3A_943, %broadcast_in_dim3A_948 : vector<16xi1>, vector<16xf32>
    %add3A_950 = arith.addf %add3A_937, %select_n3A_949 : vector<16xf32>
    %swap3A_951 = arith.constant 464 : index
    %swap3A_952 = tpu.vector_load %arg7[%swap3A_951] {strides = array<i32>} : memref<512xf32, #tpu.memory_space<vmem>>, vector<16xf32>,
    %swap3A_953 = vector.shape_cast %swap3A_952 : vector<16xf32> to vector<16xf32>
    %swap3A_954 = vector.shape_cast %add3A_950 : vector<16xf32> to vector<16xf32>
    tpu.vector_store %arg7[%swap3A_951], %swap3A_954 {strides = array<i32>} : memref<512xf32, #tpu.memory_space<vmem>>, vector<16xf32>,
    %broadcast_in_dim3A_955 = arith.constant 0.000000e+00 : f32
    %broadcast_in_dim3A_956 = vector.broadcast %broadcast_in_dim3A_955 : f32 to vector<16xf32>
    %get3A_957 = arith.constant 0 : index
    %get3A_958 = tpu.vector_load %arg5[%get3A_957] {strides = array<i32>} : memref<64xi32, #tpu.memory_space<vmem>>, vector<16xi32>,
    %get3A_959 = vector.shape_cast %get3A_958 : vector<16xi32> to vector<16xi32>
    %get3A_960 = arith.constant 0 : index
    %get3A_961 = tpu.vector_load %arg6[%get3A_960] {strides = array<i32>} : memref<64xf32, #tpu.memory_space<vmem>>, vector<16xf32>,
    %get3A_962 = vector.shape_cast %get3A_961 : vector<16xf32> to vector<16xf32>
    %eq3A_963 = arith.constant 15 : i32
    %eq3A_964 = vector.broadcast %eq3A_963 : i32 to vector<16xi32>
    %eq3A_965 = arith.cmpi eq, %get3A_959, %eq3A_964 : vector<16xi32>
    %jit3A_966 = arith.constant 0.000000e+00 : f32
    %broadcast_in_dim3A_967 = vector.broadcast %jit3A_966 : f32 to vector<16xf32>
    %select_n3A_968 = arith.select %eq3A_965, %get3A_962, %broadcast_in_dim3A_967 : vector<16xi1>, vector<16xf32>
    %add3A_969 = arith.addf %broadcast_in_dim3A_956, %select_n3A_968 : vector<16xf32>
    %get3A_970 = arith.constant 32 : index
    %get3A_971 = tpu.vector_load %arg5[%get3A_970] {strides = array<i32>} : memref<64xi32, #tpu.memory_space<vmem>>, vector<16xi32>,
    %get3A_972 = vector.shape_cast %get3A_971 : vector<16xi32> to vector<16xi32>
    %get3A_973 = arith.constant 32 : index
    %get3A_974 = tpu.vector_load %arg6[%get3A_973] {strides = array<i32>} : memref<64xf32, #tpu.memory_space<vmem>>, vector<16xf32>,
    %get3A_975 = vector.shape_cast %get3A_974 : vector<16xf32> to vector<16xf32>
    %eq3A_976 = arith.constant 15 : i32
    %eq3A_977 = vector.broadcast %eq3A_976 : i32 to vector<16xi32>
    %eq3A_978 = arith.cmpi eq, %get3A_972, %eq3A_977 : vector<16xi32>
    %jit3A_979 = arith.constant 0.000000e+00 : f32
    %broadcast_in_dim3A_980 = vector.broadcast %jit3A_979 : f32 to vector<16xf32>
    %select_n3A_981 = arith.select %eq3A_978, %get3A_975, %broadcast_in_dim3A_980 : vector<16xi1>, vector<16xf32>
    %add3A_982 = arith.addf %add3A_969, %select_n3A_981 : vector<16xf32>
    %swap3A_983 = arith.constant 480 : index
    %swap3A_984 = tpu.vector_load %arg7[%swap3A_983] {strides = array<i32>} : memref<512xf32, #tpu.memory_space<vmem>>, vector<16xf32>,
    %swap3A_985 = vector.shape_cast %swap3A_984 : vector<16xf32> to vector<16xf32>
    %swap3A_986 = vector.shape_cast %add3A_982 : vector<16xf32> to vector<16xf32>
    tpu.vector_store %arg7[%swap3A_983], %swap3A_986 {strides = array<i32>} : memref<512xf32, #tpu.memory_space<vmem>>, vector<16xf32>,
    %broadcast_in_dim3A_987 = arith.constant 0.000000e+00 : f32
    %broadcast_in_dim3A_988 = vector.broadcast %broadcast_in_dim3A_987 : f32 to vector<16xf32>
    %get3A_989 = arith.constant 16 : index
    %get3A_990 = tpu.vector_load %arg5[%get3A_989] {strides = array<i32>} : memref<64xi32, #tpu.memory_space<vmem>>, vector<16xi32>,
    %get3A_991 = vector.shape_cast %get3A_990 : vector<16xi32> to vector<16xi32>
    %get3A_992 = arith.constant 16 : index
    %get3A_993 = tpu.vector_load %arg6[%get3A_992] {strides = array<i32>} : memref<64xf32, #tpu.memory_space<vmem>>, vector<16xf32>,
    %get3A_994 = vector.shape_cast %get3A_993 : vector<16xf32> to vector<16xf32>
    %eq3A_995 = arith.constant 15 : i32
    %eq3A_996 = vector.broadcast %eq3A_995 : i32 to vector<16xi32>
    %eq3A_997 = arith.cmpi eq, %get3A_991, %eq3A_996 : vector<16xi32>
    %jit3A_998 = arith.constant 0.000000e+00 : f32
    %broadcast_in_dim3A_999 = vector.broadcast %jit3A_998 : f32 to vector<16xf32>
    %select_n3A_1000 = arith.select %eq3A_997, %get3A_994, %broadcast_in_dim3A_999 : vector<16xi1>, vector<16xf32>
    %add3A_1001 = arith.addf %broadcast_in_dim3A_988, %select_n3A_1000 : vector<16xf32>
    %get3A_1002 = arith.constant 48 : index
    %get3A_1003 = tpu.vector_load %arg5[%get3A_1002] {strides = array<i32>} : memref<64xi32, #tpu.memory_space<vmem>>, vector<16xi32>,
    %get3A_1004 = vector.shape_cast %get3A_1003 : vector<16xi32> to vector<16xi32>
    %get3A_1005 = arith.constant 48 : index
    %get3A_1006 = tpu.vector_load %arg6[%get3A_1005] {strides = array<i32>} : memref<64xf32, #tpu.memory_space<vmem>>, vector<16xf32>,
    %get3A_1007 = vector.shape_cast %get3A_1006 : vector<16xf32> to vector<16xf32>
    %eq3A_1008 = arith.constant 15 : i32
    %eq3A_1009 = vector.broadcast %eq3A_1008 : i32 to vector<16xi32>
    %eq3A_1010 = arith.cmpi eq, %get3A_1004, %eq3A_1009 : vector<16xi32>
    %jit3A_1011 = arith.constant 0.000000e+00 : f32
    %broadcast_in_dim3A_1012 = vector.broadcast %jit3A_1011 : f32 to vector<16xf32>
    %select_n3A_1013 = arith.select %eq3A_1010, %get3A_1007, %broadcast_in_dim3A_1012 : vector<16xi1>, vector<16xf32>
    %add3A_1014 = arith.addf %add3A_1001, %select_n3A_1013 : vector<16xf32>
    %swap3A_1015 = arith.constant 496 : index
    %swap3A_1016 = tpu.vector_load %arg7[%swap3A_1015] {strides = array<i32>} : memref<512xf32, #tpu.memory_space<vmem>>, vector<16xf32>,
    %swap3A_1017 = vector.shape_cast %swap3A_1016 : vector<16xf32> to vector<16xf32>
    %swap3A_1018 = vector.shape_cast %add3A_1014 : vector<16xf32> to vector<16xf32>
    tpu.vector_store %arg7[%swap3A_1015], %swap3A_1018 {strides = array<i32>} : memref<512xf32, #tpu.memory_space<vmem>>, vector<16xf32>,
    %eq3A_1019 = arith.constant 0 : i32
    %eq3A_1020 = arith.cmpi eq, %add3A, %eq3A_1019 : i32
    %convert_element_type3A = arith.extui %eq3A_1020 : i1 to i32
    %cond3A = arith.constant 0 : i32
    %cond3A_1021 = arith.cmpi ne, %convert_element_type3A, %cond3A : i32
    scf.if %cond3A_1021 {
      "tpu.region"() ({
        %run_scoped3A = tpu.sem_alloc : memref<!tpu.dma_semaphore, #tpu.memory_space<semaphore_mem>>
        tpu.enqueue_dma source(%arg7 : memref<512xf32, #tpu.memory_space<vmem>>) target(%arg4 : memref<512xf32, #tpu.memory_space<hbm>>) target_semaphore(%run_scoped3A : memref<!tpu.dma_semaphore, #tpu.memory_space<semaphore_mem>>)
        tpu.wait_dma2 semaphore(%run_scoped3A : memref<!tpu.dma_semaphore, #tpu.memory_space<semaphore_mem>>) src(%arg7 : memref<512xf32, #tpu.memory_space<vmem>>) dst(%arg4 : memref<512xf32, #tpu.memory_space<hbm>>)
        tpu.yield
      }) : () -> ()
    } else {
    }
    return
  }
}

module attributes {stable_mosaic.version = 14 : i64} {
  func.func @_moe_kernel(%arg0: i32, %arg1: memref<16x32xf32, #tpu.memory_space<vmem>>, %arg2: memref<32x1024xf32, #tpu.memory_space<vmem>>, %arg3: memref<1x512x1024xf32, #tpu.memory_space<vmem>>, %arg4: memref<1x512x1024xf32, #tpu.memory_space<vmem>>, %arg5: memref<1x512x1024xf32, #tpu.memory_space<vmem>>, %arg6: memref<32x1024xf32, #tpu.memory_space<vmem>>) attributes {dimension_semantics = [#tpu.dimension_semantics<arbitrary>], iteration_bounds = array<i64: 16>, scalar_prefetch = 0 : i64, scratch_operands = 0 : i64, tpu.core_type = #tpu.core_type<tc>, window_params = [{pipeline_mode = #tpu.pipeline_mode<synchronous>, transform_indices = @transform_0, window_bounds = array<i64: 16, 32>}, {pipeline_mode = #tpu.pipeline_mode<synchronous>, transform_indices = @transform_1, window_bounds = array<i64: 32, 1024>}, {transform_indices = @transform_2, window_bounds = array<i64: 1, 512, 1024>}, {transform_indices = @transform_3, window_bounds = array<i64: 1, 512, 1024>}, {transform_indices = @transform_4, window_bounds = array<i64: 1, 512, 1024>}, {pipeline_mode = #tpu.pipeline_mode<synchronous>, transform_indices = @transform_5, window_bounds = array<i64: 32, 1024>}]} {
    %get3A = arith.index_cast %arg0 : i32 to index
    %get3A_0 = arith.constant 0 : index
    %get3A_1 = vector.load %arg1[%get3A, %get3A_0] : memref<16x32xf32, #tpu.memory_space<vmem>>, vector<1x32xf32>
    %get3A_2 = vector.shape_cast %get3A_1 : vector<1x32xf32> to vector<32xf32>
    %get3A_3 = arith.constant 0 : index
    %get3A_4 = arith.constant 0 : index
    %get3A_5 = vector.load %arg2[%get3A_3, %get3A_4] : memref<32x1024xf32, #tpu.memory_space<vmem>>, vector<32x1024xf32>
    %slice3A = vector.extract_strided_slice %get3A_5 {offsets = [0, 0], sizes = [32, 512], strides = [1, 1]} : vector<32x1024xf32> to vector<32x512xf32>
    %get3A_6 = arith.constant 0 : index
    %get3A_7 = arith.constant 0 : index
    %get3A_8 = arith.constant 0 : index
    %get3A_9 = vector.load %arg3[%get3A_6, %get3A_7, %get3A_8] : memref<1x512x1024xf32, #tpu.memory_space<vmem>>, vector<1x512x1024xf32>
    %get3A_10 = vector.shape_cast %get3A_9 : vector<1x512x1024xf32> to vector<512x1024xf32>
    %dot_general3A = arith.constant dense<0.000000e+00> : vector<32x1024xf32>
    %dot_general3A_11 = tpu.matmul %slice3A, %get3A_10, %dot_general3A {dimension_numbers = #tpu.dot_dimension_numbers<[1], [0], [0], [1], [0, 0, 1, 1], [], []>, transpose_lhs_hint = false} : vector<32x512xf32>, vector<512x1024xf32>, vector<32x1024xf32> -> vector<32x1024xf32>
    %slice3A_12 = vector.extract_strided_slice %get3A_5 {offsets = [0, 512], sizes = [32, 512], strides = [1, 1]} : vector<32x1024xf32> to vector<32x512xf32>
    %get3A_13 = arith.constant 0 : index
    %get3A_14 = arith.constant 0 : index
    %get3A_15 = arith.constant 0 : index
    %get3A_16 = vector.load %arg4[%get3A_13, %get3A_14, %get3A_15] : memref<1x512x1024xf32, #tpu.memory_space<vmem>>, vector<1x512x1024xf32>
    %get3A_17 = vector.shape_cast %get3A_16 : vector<1x512x1024xf32> to vector<512x1024xf32>
    %dot_general3A_18 = arith.constant dense<0.000000e+00> : vector<32x1024xf32>
    %dot_general3A_19 = tpu.matmul %slice3A_12, %get3A_17, %dot_general3A_18 {dimension_numbers = #tpu.dot_dimension_numbers<[1], [0], [0], [1], [0, 0, 1, 1], [], []>, transpose_lhs_hint = false} : vector<32x512xf32>, vector<512x1024xf32>, vector<32x1024xf32> -> vector<32x1024xf32>
    %add3A = arith.addf %dot_general3A_11, %dot_general3A_19 : vector<32x1024xf32>
    %slice3A_20 = vector.extract_strided_slice %add3A {offsets = [0, 0], sizes = [32, 512], strides = [1, 1]} : vector<32x1024xf32> to vector<32x512xf32>
    %slice3A_21 = vector.extract_strided_slice %add3A {offsets = [0, 512], sizes = [32, 512], strides = [1, 1]} : vector<32x1024xf32> to vector<32x512xf32>
    %logistic3A = arith.negf %slice3A_20 : vector<32x512xf32>
    %logistic3A_22 = math.exp %logistic3A : vector<32x512xf32>
    %logistic3A_23 = arith.constant 1.000000e+00 : f32
    %logistic3A_24 = vector.broadcast %logistic3A_23 : f32 to vector<32x512xf32>
    %logistic3A_25 = arith.addf %logistic3A_24, %logistic3A_22 : vector<32x512xf32>
    %logistic3A_26 = arith.divf %logistic3A_24, %logistic3A_25 : vector<32x512xf32>
    %mul3A = arith.mulf %slice3A_20, %logistic3A_26 : vector<32x512xf32>
    %mul3A_27 = arith.mulf %mul3A, %slice3A_21 : vector<32x512xf32>
    %get3A_28 = arith.constant 0 : index
    %get3A_29 = arith.constant 0 : index
    %get3A_30 = arith.constant 0 : index
    %get3A_31 = vector.load %arg5[%get3A_28, %get3A_29, %get3A_30] : memref<1x512x1024xf32, #tpu.memory_space<vmem>>, vector<1x512x1024xf32>
    %get3A_32 = vector.shape_cast %get3A_31 : vector<1x512x1024xf32> to vector<512x1024xf32>
    %dot_general3A_33 = arith.constant dense<0.000000e+00> : vector<32x1024xf32>
    %dot_general3A_34 = tpu.matmul %mul3A_27, %get3A_32, %dot_general3A_33 {dimension_numbers = #tpu.dot_dimension_numbers<[1], [0], [0], [1], [0, 0, 1, 1], [], []>, transpose_lhs_hint = false} : vector<32x512xf32>, vector<512x1024xf32>, vector<32x1024xf32> -> vector<32x1024xf32>
    %broadcast_in_dim3A = vector.shape_cast %get3A_2 : vector<32xf32> to vector<32x1xf32>
    %mul3A_35 = vector.broadcast %broadcast_in_dim3A : vector<32x1xf32> to vector<32x1024xf32>
    %mul3A_36 = arith.mulf %dot_general3A_34, %mul3A_35 : vector<32x1024xf32>
    %eq3A = arith.constant 0 : i32
    %eq3A_37 = arith.cmpi eq, %arg0, %eq3A : i32
    %convert_element_type3A = arith.extui %eq3A_37 : i1 to i32
    %cond3A = arith.constant 0 : i32
    %cond3A_38 = arith.cmpi ne, %convert_element_type3A, %cond3A : i32
    scf.if %cond3A_38 {
      %swap3A = arith.constant 0 : index
      %swap3A_43 = arith.constant 0 : index
      %swap3A_44 = vector.load %arg6[%swap3A, %swap3A_43] : memref<32x1024xf32, #tpu.memory_space<vmem>>, vector<32x1024xf32>
      tpu.vector_store %arg6[%swap3A, %swap3A_43], %mul3A_36 {strides = array<i32>} : memref<32x1024xf32, #tpu.memory_space<vmem>>, vector<32x1024xf32>,
    } else {
    }
    %ne3A = arith.constant 0 : i32
    %ne3A_39 = arith.cmpi ne, %arg0, %ne3A : i32
    %convert_element_type3A_40 = arith.extui %ne3A_39 : i1 to i32
    %cond3A_41 = arith.constant 0 : i32
    %cond3A_42 = arith.cmpi ne, %convert_element_type3A_40, %cond3A_41 : i32
    scf.if %cond3A_42 {
      %get3A_43 = arith.constant 0 : index
      %get3A_44 = arith.constant 0 : index
      %get3A_45 = vector.load %arg6[%get3A_43, %get3A_44] : memref<32x1024xf32, #tpu.memory_space<vmem>>, vector<32x1024xf32>
      %add3A_46 = arith.addf %get3A_45, %mul3A_36 : vector<32x1024xf32>
      %swap3A = arith.constant 0 : index
      %swap3A_47 = arith.constant 0 : index
      %swap3A_48 = vector.load %arg6[%swap3A, %swap3A_47] : memref<32x1024xf32, #tpu.memory_space<vmem>>, vector<32x1024xf32>
      tpu.vector_store %arg6[%swap3A, %swap3A_47], %add3A_46 {strides = array<i32>} : memref<32x1024xf32, #tpu.memory_space<vmem>>, vector<32x1024xf32>,
    } else {
    }
    return
  }
  func.func @transform_0(%arg0: i32) -> (i32, i32) {
    %c0_i32 = arith.constant 0 : i32
    %c0_i32_0 = arith.constant 0 : i32
    %c0_i32_1 = arith.constant 0 : i32
    return %c0_i32, %c0_i32_0 : i32, i32
  }
  func.func @transform_1(%arg0: i32) -> (i32, i32) {
    %c0_i32 = arith.constant 0 : i32
    %c0_i32_0 = arith.constant 0 : i32
    %c0_i32_1 = arith.constant 0 : i32
    return %c0_i32, %c0_i32_0 : i32, i32
  }
  func.func @transform_2(%arg0: i32) -> (i32, i32, i32) {
    %c0_i32 = arith.constant 0 : i32
    %c0_i32_0 = arith.constant 0 : i32
    %c0_i32_1 = arith.constant 0 : i32
    return %arg0, %c0_i32, %c0_i32_0 : i32, i32, i32
  }
  func.func @transform_3(%arg0: i32) -> (i32, i32, i32) {
    %c1_i32 = arith.constant 1 : i32
    %c0_i32 = arith.constant 0 : i32
    %c0_i32_0 = arith.constant 0 : i32
    return %arg0, %c1_i32, %c0_i32 : i32, i32, i32
  }
  func.func @transform_4(%arg0: i32) -> (i32, i32, i32) {
    %c0_i32 = arith.constant 0 : i32
    %c0_i32_0 = arith.constant 0 : i32
    %c0_i32_1 = arith.constant 0 : i32
    return %arg0, %c0_i32, %c0_i32_0 : i32, i32, i32
  }
  func.func @transform_5(%arg0: i32) -> (i32, i32) {
    %c0_i32 = arith.constant 0 : i32
    %c0_i32_0 = arith.constant 0 : i32
    %c0_i32_1 = arith.constant 0 : i32
    return %c0_i32, %c0_i32_0 : i32, i32
  }
}

</mosaic_0001>

<sc_bundles>
// kernel: kernel.4.cloned.1.call-start
scs
__scs_entry_jumppad:
0x0: {  	(pc) =	sbr.rel $0x88, $3  }
0x1: {  	(tag) =	ssettag $0x0;
	lr =	simm.s32 $0x1  }
0x2: {  	[smem:$0x3F9C] =	sst lr;
	_ =	strace $0xD0000000  }
0x3: {  	_ = 	snop  }
0x4: {  	_ = 	snop  }
0x5: {  	_ = 	snop  }
0x6: {  	_ = 	snop  }
0x7: {  	_ = 	snop  }
__scs_overlays_trampoline_lowered:
0x8: {  	[smem:$0x3FAB] =	sst s0  }
0x9: {  	[smem:$0x3FAC] =	sst s1  }
0xa: {  	[smem:$0x3FAD] =	sst s2  }
0xb: {  	[smem:$0x3FAE] =	sst s3  }
0xc: {  	[smem:$0x3FAF] =	sst s4  }
0xd: {  	[smem:$0x3FB0] =	sst s5  }
0xe: {  	[smem:$0x3FB1] =	sst s6  }
0xf: {  	[smem:$0x3FB2] =	sst s7  }
0x10: {  	[smem:$0x3FB3] =	sst s8  }
0x11: {  	[smem:$0x3FB4] =	sst s9;
	s0 =	simm.s32 @!p0 $0x0  }
0x12: {  	s1 =	sld [smem:$0x3F9A];
	s0 =	simm.s32 @p0 $0x1  }
0x13: {  	[smem:$0x3FB5] =	sst s0;
	s0 =	simm.s32 @!p1 $0x0  }
0x14: {  	s2 =	sld [smem:$0x3F99];
	s0 =	simm.s32 @p1 $0x1  }
0x15: {  	[smem:$0x3FB6] =	sst s0;
	s0 =	simm.s32 @!p2 $0x0  }
0x16: {  	s3 =	sld [smem:$0x3FDB];
	s0 =	simm.s32 @p2 $0x1  }
0x17: {  	s4 =	simm.s32 $0x1BF5;
	[smem:$0x3FB8] =	sst s0  }
0x18: {  	s0 =	sld [smem:$0x3F9B];
	_ =	swait.ge [sflag:s4], $0x0  }
0x19: {  	s7 =	sld [smem:$0x3F9C]  }
0x1a: {  	s8 =	sadd.s32 $0xFFFFE003, lr  }
0x1b: {  	s9 =	sadd.s32 $0xFFFFFEF7, lr;
	s5 =	simm.s32 $0xFFFFFFFF;
	p2 =	slt.u32 s8, $0xFFFFF086  }
0x1c: {  	p1 =	slt.u32 s9, $0xF7A;
	s5 =	simm.s32 @!p2 $0x0  }
0x1d: {  	s5 =	simm.s32 @p1 $0x1;
	p0 =	seq.s32 s7, s2  }
0x1e: {  	s7 =	smul.u32 @!p0 $0xF7A, s2;
	p2 =	seq.s32 @!p0 s5, $0x0  }
0x1f: {  	s9 =	smul.u32 $0xF7A, s1;
	s8 =	simm.s32 @!p0 $0x1BF5;
	p2 =	por !p2, p0  }
0x20: {  	[sflag:s8] =	ssyncset.s32 @!p0 $0xFFFFF086;
	s6 =	sadd.s32 @!p0 s3, s7;
	s7 =	simm.s32 @!p0 $0x108  }
0x21: {  	s3 =	sadd.s32 s3, s9;
	s6 =	sadd.s32 @!p0 $0x88, s6;
	s7 =	simm.s32 @p2 $0x1082  }
0x22: {  	[simem:s7], [sflag:s8] =	dma.local @!p0 [hbm:s6], $0xF7A  }
0x23: {  	s9 =	sor.u32 $0xD0000000, s2;
	s6 =	simm.s32 $0x108;
	_ =	swait.ge @!p0 [sflag:s8], $0x0  }
0x24: {  	s3 =	sadd.s32 $0x88, s3;
	s6 =	simm.s32 @!p1 $0x1082;
	[sflag:s4] =	ssyncset.s32 $0xFFFFF086  }
0x25: {  	[simem:s6], [sflag:s4] =	dma.local [hbm:s3], $0xF7A  }
0x26: {  	[smem:$0x3F9C] =	sst s1;
	(tag) =	ssettag s2;
	_ =	strace s9  }
0x27: {  	s1 =	sld [smem:$0x3FAC]  }
0x28: {  	s2 =	sld [smem:$0x3FAD]  }
0x29: {  	s4 =	sld [smem:$0x3FAF]  }
0x2a: {  	p0 =	seq.s32 s5, $0x0;
	s5 =	sld [smem:$0x3FB0]  }
0x2b: {  	s6 =	sld [smem:$0x3FB1]  }
0x2c: {  	s7 =	sld [smem:$0x3FB2]  }
0x2d: {  	s3 =	simm.s32 $0x108;
	s8 =	sld [smem:$0x3FB3]  }
0x2e: {  	s3 =	simm.s32 @!p0 $0x1082;
	s9 =	sld [smem:$0x3FB4]  }
0x2f: {  	lr =	sadd.s32 s0, s3;
	s0 =	sld [smem:$0x3FAB]  }
0x30: {  	s3 =	sld [smem:$0x3FAE]  }
0x31: {  	[smem:$0x3FB7] =	sst s10  }
0x32: {  	s10 =	sld [smem:$0x3FB5];
	_ =	sdelay $0x3  }
0x33: {  	p0 =	seq.s32 s10, $0x1;
	s10 =	sld [smem:$0x3FB7];
	_ =	sdelay $0x3  }
0x34: {  	[smem:$0x3FB7] =	sst s10  }
0x35: {  	s10 =	sld [smem:$0x3FB6];
	_ =	sdelay $0x3  }
0x36: {  	p1 =	seq.s32 s10, $0x1;
	s10 =	sld [smem:$0x3FB7];
	_ =	sdelay $0x3  }
0x37: {  	[smem:$0x3FB7] =	sst s10  }
0x38: {  	s10 =	sld [smem:$0x3FB8]  }
0x39: {  	_ = 	snop;
	(pc) =	sbr.ind lr, $3  }
0x3a: {  	_ = 	snop  }
0x3b: {  	_ = 	snop  }
0x3c: {  	p2 =	seq.s32 s10, $0x1;
	s10 =	sld [smem:$0x3FB7]  }
0x3d: {  	_ =	shalt  }
0x3e: {  	_ =	shalt  }
0x3f: {  	_ =	shalt  }
0x40: {  	_ =	shalt  }
0x41: {  	_ =	shalt  }
0x42: {  	_ =	shalt  }
0x43: {  	_ =	shalt  }
0x44: {  	_ =	shalt  }
0x45: {  	_ =	shalt  }
0x46: {  	_ =	shalt  }
0x47: {  	_ =	shalt  }
0x48: {  	_ =	shalt  }
0x49: {  	_ =	shalt  }
0x4a: {  	_ =	shalt  }
0x4b: {  	_ =	shalt  }
0x4c: {  	_ =	shalt  }
0x4d: {  	_ =	shalt  }
0x4e: {  	_ =	shalt  }
0x4f: {  	_ =	shalt  }
0x50: {  	_ =	shalt  }
0x51: {  	_ =	shalt  }
0x52: {  	_ =	shalt  }
0x53: {  	_ =	shalt  }
0x54: {  	_ =	shalt  }
0x55: {  	_ =	shalt  }
0x56: {  	_ =	shalt  }
0x57: {  	_ =	shalt  }
0x58: {  	_ =	shalt  }
0x59: {  	_ =	shalt  }
0x5a: {  	_ =	shalt  }
0x5b: {  	_ =	shalt  }
0x5c: {  	_ =	shalt  }
0x5d: {  	_ =	shalt  }
0x5e: {  	_ =	shalt  }
0x5f: {  	_ =	shalt  }
0x60: {  	_ =	shalt  }
0x61: {  	_ =	shalt  }
0x62: {  	_ =	shalt  }
0x63: {  	_ =	shalt  }
0x64: {  	_ =	shalt  }
0x65: {  	_ =	shalt  }
0x66: {  	_ =	shalt  }
0x67: {  	_ =	shalt  }
0x68: {  	_ =	shalt  }
0x69: {  	_ =	shalt  }
0x6a: {  	_ =	shalt  }
0x6b: {  	_ =	shalt  }
0x6c: {  	_ =	shalt  }
0x6d: {  	_ =	shalt  }
0x6e: {  	_ =	shalt  }
0x6f: {  	_ =	shalt  }
0x70: {  	_ =	shalt  }
0x71: {  	_ =	shalt  }
0x72: {  	_ =	shalt  }
0x73: {  	_ =	shalt  }
0x74: {  	_ =	shalt  }
0x75: {  	_ =	shalt  }
0x76: {  	_ =	shalt  }
0x77: {  	_ =	shalt  }
0x78: {  	_ =	shalt  }
0x79: {  	_ =	shalt  }
0x7a: {  	_ =	shalt  }
0x7b: {  	_ =	shalt  }
0x7c: {  	_ =	shalt  }
0x7d: {  	_ =	shalt  }
0x7e: {  	_ =	shalt  }
0x7f: {  	_ =	shalt  }
0x80: {  	_ =	shalt  }
0x81: {  	_ =	shalt  }
0x82: {  	_ =	shalt  }
0x83: {  	_ =	shalt  }
0x84: {  	_ =	shalt  }
0x85: {  	_ =	shalt  }
0x86: {  	_ =	shalt  }
0x87: {  	_ =	shalt  }
.Lfunc_end0:
.L_simem_size_0:
called_computation_lowered:
.L_overlay_start_0:
0x88: {  	s2 =	sld [smem:$0x3FD9]  }
0x89: {  	s3 =	sld [smem:$0x3FFE];
	_ =	sdelay $0x1  }
0x8a: {  	s1 =	srdreg.scid  }
0x8b: {  	s0 =	sand.u32 $0x1, s1  }
0x8c: {  	s17 =	sshll.u32 s0, $0xA;
	s2 =	sadd.s32 s3, s2  }
0x8d: {  	s2 =	sadd.s32 s2, s17  }
0x8e: {  	[smem:$0x3FC3] =	sst s2  }
0x8f: {  	_ = 	snop  }
0x90: {  	s2 =	sld [smem:$0x3FD0];
	(tm) =	ssettm $0x1  }
0x91: {  	s18 =	sld [smem:$0x3FFB];
	_ =	sdelay $0x3  }
0x92: {  	_ =	strace s18  }
0x93: {  	s3 =	sld [smem:$0x3FFC];
	_ =	sdelay $0x3  }
0x94: {  	_ =	strace s3  }
0x95: {  	s3 =	sld [smem:$0x3FFD];
	_ =	sdelay $0x3  }
0x96: {  	_ =	strace s3  }
0x97: {  	_ =	strace $0x8FFFFFFF  }
0x98: {  	s19 =	sld [smem:$0x3FDB];
	_ =	sdelay $0x1  }
0x99: {  	s4 =	simm.s32 $_scs_section_size  }
0x9a: {  	s5 =	simm.s32 $_size__tile_overlayer_lowered;
	s6 =	simm.s32 $_tile_overlayer_lowered  }
0x9b: {  	s22 =	simm.s32 $0x1BFF;
	s21 =	sshll.u32 s6, $0x1;
	s3 =	sadd.s32 s4, s19  }
0x9c: {  	s7 =	simm.s32 $0x0;
	s20 =	sshll.u32 s5, $0x1;
	s5 =	sadd.s32 s21, s3  }
0x9d: {  	[timem:s7], [sflag:s22] =	dma.local [hbm:s5], s20  }
0x9e: {  	_ =	swait.ge [sflag:s22], s20  }
0x9f: {  	s4 =	ssub.s32 $0x0, s20;
	[sflag:s22] =	ssyncset.done $0x0  }
0xa0: {  	[sflag:s22] =	ssyncadd.s32 s4;
	_ =	sdelay $0x1  }
0xa1: {  	s23 =	simm.s32 $0x1B8B  }
0xa2: {  	_ =	swait.ge [sflag:s23], $0x1  }
0xa3: {  	[sflag:s23] =	ssyncset.done $0x0  }
0xa4: {  	s25 =	simm.s32 $0x1B8E;
	s24 =	sld [smem:$0x3FFE];
	[sflag:s23] =	ssyncadd.s32 $0xFFFFFFFF  }
0xa5: {  	s26 =	simm.s32 $execute0_lowered;
	[smem:$0x3FD2] =	sst s25  }
0xa6: {  	s5 =	sshll.u32 s26, $0x1;
	_ =	strace $0x80000046;
	[dreg:$0x1] =	wrdreg $0xFFFFFFFF  }
0xa7: {  	s28 =	simm.s32 $_size_execute0_lowered;
	s3 =	sadd.s32 s3, s5;
	[dreg:$0x0] =	wrdreg $0x0  }
0xa8: {  	s5 =	sshll.u32 s28, $0x1;
	[dreg:$0x2] =	wrdreg s3  }
0xa9: {  	[dreg:$0x3] =	wrdreg s5  }
0xaa: {  	[dreg:$0x4] =	wrdreg $0xC0  }
0xab: {  	_ =	task [dreg:s7], $0x5FFFF  }
0xac: {  	[dreg:$0x1] =	wrdreg $0xFFFFFFFF  }
0xad: {  	[dreg:$0x0] =	wrdreg $0x60  }
0xae: {  	[dreg:$0x2] =	wrdreg s24  }
0xaf: {  	[dreg:$0x3] =	wrdreg s2  }
0xb0: {  	[dreg:$0x4] =	wrdreg $0x9  }
0xb1: {  	_ =	task.clear_ibuf [dreg:s7], $0x5FFFF;
	_ =	strace $0x90000046  }
0xb2: {  	s29 =	simm.s32 $0x9;
	_ =	strace $0x80000048  }
0xb3: {  	_ =	swait.ge [sflag:s29], $0x1  }
0xb4: {  	[sflag:s29] =	ssyncadd.s32 $0xFFFFFFFF  }
0xb5: {  	_ =	strace $0x90000048  }
0xb6: {  	_ =	sfence  }
0xb7: {  	s30 =	sld [smem:$0x0];
	_ =	sdelay $0x2  }
0xb8: {  	s31 =	sshll.u32 s1, $0xD;
	s1 =	sshrl.u32 s1, $0x2  }
0xb9: {  	s3 =	sand.u32 $0x4000, s31;
	s1 =	sadd.s32 s1, s30  }
0xba: {  	s0 =	sor.u32 s3, s0;
	s1 =	sshll.u32 s1, $0x11  }
0xbb: {  	s0 =	sor.u32 s1, s0  }
0xbc: {  	s0 =	sadd.s32 $0x8F2B, s0  }
0xbd: {  	[sflag:s0] =	ssyncadd.remote.s32 $0x1  }
0xbe: {  	_ =	sfence.sel $0xFFFF  }
0xbf: {  	[dreg:$0x0] =	wrdreg $0xFFFFFFFF;
	(pc) =	sbr.abs _section_cstart, $3  }
0xc0: {  	[dreg:$0x1] =	wrdreg $0xFFFFFFFF  }
0xc1: {  	_ =	task.clear_ibuf [dreg:s7], $0x2FFFF;
	_ =	strace $0x9FFFFFFF  }
0xc2: {  	(tm) =	ssettm $0x7FFFFFFF  }
0xc3: {  	_ =	shalt  }
tec
execute0_lowered:
.L_overlay_start_1:
0x0: {  	(tag) =	ssettag $0x1  }
0x1: {  	s4 =	rddreg [dreg:$0x0]  }
0x2: {  	s1 =	rddreg [dreg:$0x1]  }
0x3: {  	s2 =	srdreg.scid;
	s0 =	rddreg [dreg:$0x2]  }
0x4: {  	_ =	strace $0x80000047;
	s5 =	sand.u32 $0x1, s2;
	s3 =	sadd.s32 $0x600, s4  }
0x5: {  	s2 =	stileid.u32;
	s4 =	sadd.s32 $0x800, s4;
	s6 =	ssub.s32 $0x2, s5  }
0x6: {  	s31 =	sshll.u32 s2, $0x1;
	s8 =	ssub.s32 $0x0, s5;
	s7 =	sshrl.u32 s6, $0x1  }
0x7: {  	p0 =	sne.s32 s31, s8;
	s8 =	simm.s32 $0x80;
	s6 =	ssub.s32 s6, s7  }
0x8: {  	s7 =	simm.s32 $0x1;
	s5 =	smax.u32 s6, $0x1;
	s6 =	simm.s32 $0x0  }
.LBB2_1:
0x9: {  	[tilespmem:s6], [sflag:$0x1] =	stream.linear.gather [hbm4b:s3+s6], $0x80, $0x38;
	[tilespmem:$0x300] =	vst v63  }
0xa: {  	_ =	swait.ge [sflag:s7], $0x80  }
0xb: {  	[sflag:s7] =	ssyncset.done $0x0  }
0xc: {  	[sflag:s7] =	ssyncadd.s32 $0xFFFFFF80  }
0xd: {  	[tilespmem:s8], [sflag:$0x1] =	stream.linear.gather [hbm4b:s4+s6], $0x80, $0x38;
	[tilespmem:$0x300] =	vst v63  }
0xe: {  	_ =	swait.ge [sflag:s7], $0x80  }
0xf: {  	[sflag:s7] =	ssyncset.done $0x0  }
0x10: {  	[sflag:s7] =	ssyncadd.s32 $0xFFFFFF80  }
0x11: {  	v4 =	vld [tilespmem:$0x0]  }
0x12: {  	v5 =	vld [tilespmem:$0x80]  }
0x13: {  	v6 =	vld [tilespmem:$0x20]  }
0x14: {  	v7 =	vld [tilespmem:$0xA0]  }
0x15: {  	v9 =	vld [tilespmem:$0x10]  }
0x16: {  	v10 =	vld [tilespmem:$0x90]  }
0x17: {  	v14 =	vld [tilespmem:$0x30]  }
0x18: {  	v15 =	vld [tilespmem:$0xB0]  }
0x19: {  	v16 =	vld [tilespmem:$0x0]  }
0x1a: {  	v17 =	vld [tilespmem:$0x80]  }
0x1b: {  	v18 =	vld [tilespmem:$0x20]  }
0x1c: {  	v19 =	vld [tilespmem:$0xA0]  }
0x1d: {  	v20 =	vld [tilespmem:$0x10]  }
0x1e: {  	v21 =	vld [tilespmem:$0x90]  }
0x1f: {  	v22 =	vld [tilespmem:$0x30]  }
0x20: {  	v23 =	vld [tilespmem:$0xB0]  }
0x21: {  	v24 =	vld [tilespmem:$0x0]  }
0x22: {  	v25 =	vld [tilespmem:$0x80]  }
0x23: {  	v26 =	vld [tilespmem:$0x20]  }
0x24: {  	v27 =	vld [tilespmem:$0xA0]  }
0x25: {  	v28 =	vld [tilespmem:$0x10]  }
0x26: {  	v29 =	vld [tilespmem:$0x90]  }
0x27: {  	v30 =	vld [tilespmem:$0x30]  }
0x28: {  	v31 =	vld [tilespmem:$0xB0]  }
0x29: {  	v32 =	vld [tilespmem:$0x0]  }
0x2a: {  	v33 =	vld [tilespmem:$0x80]  }
0x2b: {  	v34 =	vld [tilespmem:$0x20]  }
0x2c: {  	v35 =	vld [tilespmem:$0xA0]  }
0x2d: {  	v36 =	vld [tilespmem:$0x10]  }
0x2e: {  	v37 =	vld [tilespmem:$0x90]  }
0x2f: {  	v38 =	vld [tilespmem:$0x30]  }
0x30: {  	v39 =	vld [tilespmem:$0xB0]  }
0x31: {  	v40 =	vld [tilespmem:$0x0]  }
0x32: {  	v41 =	vld [tilespmem:$0x80]  }
0x33: {  	v42 =	vld [tilespmem:$0x20]  }
0x34: {  	v43 =	vld [tilespmem:$0xA0]  }
0x35: {  	v44 =	vld [tilespmem:$0x10]  }
0x36: {  	v45 =	vld [tilespmem:$0x90]  }
0x37: {  	v46 =	vld [tilespmem:$0x30]  }
0x38: {  	v47 =	vld [tilespmem:$0xB0]  }
0x39: {  	v48 =	vld [tilespmem:$0x0]  }
0x3a: {  	v49 =	vld [tilespmem:$0x80]  }
0x3b: {  	v50 =	vld [tilespmem:$0x20]  }
0x3c: {  	v51 =	vld [tilespmem:$0xA0]  }
0x3d: {  	v52 =	vld [tilespmem:$0x10]  }
0x3e: {  	v53 =	vld [tilespmem:$0x90]  }
0x3f: {  	v54 =	vld [tilespmem:$0x30]  }
0x40: {  	v55 =	vld [tilespmem:$0xB0]  }
0x41: {  	v56 =	vld [tilespmem:$0x0]  }
0x42: {  	v57 =	vld [tilespmem:$0x80]  }
0x43: {  	v58 =	vld [tilespmem:$0x20]  }
0x44: {  	v59 =	vld [tilespmem:$0xA0]  }
0x45: {  	v60 =	vld [tilespmem:$0x10]  }
0x46: {  	v61 =	vld [tilespmem:$0x90]  }
0x47: {  	v62 =	vld [tilespmem:$0x30]  }
0x48: {  	v63 =	vld [tilespmem:$0xB0]  }
0x49: {  	v2 =	vld [tilespmem:$0x0]  }
0x4a: {  	v0 =	vld [tilespmem:$0x80]  }
0x4b: {  	v3 =	vld [tilespmem:$0x20]  }
0x4c: {  	v1 =	vld [tilespmem:$0xA0]  }
0x4d: {  	v13 =	vld [tilespmem:$0x0]  }
0x4e: {  	v11 =	vld [tilespmem:$0xB0]  }
0x4f: {  	v12 =	vld [tilespmem:$0x10]  }
0x50: {  	v8 =	vld [tilespmem:$0x30]  }
0x51: {  	[tilespmem:$0x1FFA0] =	vst v1;
	v1 =	vld [tilespmem:$0x90]  }
0x52: {  	[tilespmem:$0x1FFC0] =	vst v13;
	v13 =	vld [tilespmem:$0x80]  }
0x53: {  	[tilespmem:$0x1FFB0] =	vst v11;
	v11 =	vld [tilespmem:$0x20]  }
0x54: {  	vm0 =	veq.s32 v4, $0x0;
	v4 =	vadd.f32 $0.0e+00, v5;
	v5 =	vld [tilespmem:$0x90]  }
0x55: {  	vm1 =	veq.s32 v6, $0x0;
	v6 =	vld [tilespmem:$0x30]  }
0x56: {  	vm14 =	veq.s32 v16, $0x1;
	v16 =	vld [tilespmem:$0x80]  }
0x57: {  	vm6 =	veq.s32 v20, $0x1;
	v20 =	vld [tilespmem:$0x10]  }
0x58: {  	vm10 =	veq.s32 v28, $0x2;
	v28 =	vld [tilespmem:$0x0]  }
0x59: {  	vm11 =	veq.s32 v30, $0x2;
	v30 =	vld [tilespmem:$0x90]  }
0x5a: {  	vm2 =	veq.s32 v9, $0x0;
	v9 =	vadd.f32 $0.0e+00, v10;
	vm4 =	veq.s32 v40, $0x4;
	v40 =	vld [tilespmem:$0x0]  }
0x5b: {  	vm3 =	veq.s32 v14, $0x0;
	v21 =	vadd.f32 $0.0e+00, v21;
	v14 =	vnsel vm1, $0x0, v7;
	v7 =	vld [tilespmem:$0xB0]  }
0x5c: {  	vm8 =	veq.s32 v24, $0x2;
	vm13 =	veq.s32 v34, $0x3;
	v10 =	vnsel vm3, $0x0, v15;
	v15 =	vld [tilespmem:$0x0]  }
0x5d: {  	v34 =	vadd.f32 $0.0e+00, v37;
	vm5 =	veq.s32 v42, $0x4;
	v37 =	vnsel vm13, $0x0, v35;
	v35 =	vld [tilespmem:$0x30]  }
0x5e: {  	vm9 =	veq.s32 v26, $0x2;
	v42 =	vadd.f32 $0.0e+00, v45;
	v45 =	vnsel vm5, $0x0, v43;
	v43 =	vld [tilespmem:$0xA0]  }
0x5f: {  	v24 =	vnsel vm9, $0x0, v27;
	vm9 =	veq.s32 v50, $0x5;
	vm5 =	veq.s32 v3, $0x7;
	v3 =	vld [tilespmem:$0x20]  }
0x60: {  	v50 =	vadd.f32 $0.0e+00, v53;
	v4 =	vnsel vm0, $0x0, v4;
	v53 =	vnsel vm9, $0x0, v51;
	v51 =	vld [tilespmem:$0x0]  }
0x61: {  	v9 =	vnsel vm2, $0x0, v9;
	v4 =	vadd.f32 v14, v4;
	v14 =	vld [tilespmem:$0x20]  }
0x62: {  	v10 =	vadd.f32 v10, v9;
	v9 =	vadd.f32 $0.0e+00, v17;
	v17 =	vnsel vm6, $0x0, v21;
	v21 =	vld [tilespmem:$0x90]  }
0x63: {  	vm15 =	veq.s32 v18, $0x1;
	[tilespmem:$0x1FFD0] =	vst v11;
	v11 =	vld [tilespmem:$0xA0]  }
0x64: {  	vm7 =	veq.s32 v22, $0x1;
	v25 =	vadd.f32 $0.0e+00, v25;
	v22 =	vnsel vm14, $0x0, v9;
	v9 =	vld [tilespmem:$0xA0]  }
0x65: {  	v29 =	vadd.f32 $0.0e+00, v29;
	v19 =	vnsel vm15, $0x0, v19;
	vm14 =	veq.s32 v36, $0x3;
	v36 =	vld [tilespmem:$0x80]  }
0x66: {  	v18 =	vadd.f32 v19, v22;
	v19 =	vnsel vm8, $0x0, v25;
	v25 =	vld [tilespmem:$0xB0]  }
0x67: {  	v22 =	vnsel vm10, $0x0, v29;
	v29 =	vld [tilespmem:$0x20]  }
0x68: {  	v27 =	vnsel vm14, $0x0, v34;
	v34 =	vld [tilespmem:$0x10]  }
0x69: {  	vm8 =	veq.s32 v48, $0x5;
	v48 =	vld [tilespmem:$0x10]  }
0x6a: {  	[tilespmem:$0x1FFF0] =	vst v11;
	v11 =	vld [tilespmem:$0x10]  }
0x6b: {  	vm13 =	veq.s32 v58, $0x6;
	v19 =	vadd.f32 v24, v19;
	v24 =	vld [tilespmem:$0x80]  }
0x6c: {  	v58 =	vadd.f32 $0.0e+00, v61;
	v61 =	vnsel vm13, $0x0, v59;
	vm13 =	veq.s32 v14, $0x9;
	v14 =	vld [tilespmem:$0x20]  }
0x6d: {  	v33 =	vadd.f32 $0.0e+00, v33;
	vm12 =	veq.s32 v32, $0x3;
	v41 =	vadd.f32 $0.0e+00, v41;
	[tilespmem:$0x140] =	vst v19;
	v19 =	vld [tilespmem:$0x10]  }
0x6e: {  	v0 =	vadd.f32 $0.0e+00, v0;
	vm15 =	veq.s32 v38, $0x3;
	vm14 =	veq.s32 v60, $0x6;
	v60 =	vld [tilespmem:$0x1FFF0]  }
0x6f: {  	v39 =	vnsel vm15, $0x0, v39;
	vm15 =	veq.s32 v62, $0x6;
	[tilespmem:$0x1FFE0] =	vst v11;
	v11 =	vnsel vm7, $0x0, v23;
	v23 =	vld [tilespmem:$0x30]  }
0x70: {  	vm7 =	veq.s32 v46, $0x4;
	v17 =	vadd.f32 v11, v17;
	v11 =	vnsel vm11, $0x0, v31;
	v31 =	vld [tilespmem:$0xA0]  }
0x71: {  	v1 =	vadd.f32 $0.0e+00, v1;
	v46 =	vnsel vm7, $0x0, v47;
	vm7 =	veq.s32 v8, $0x7;
	v8 =	vld [tilespmem:$0xA0]  }
0x72: {  	vm6 =	veq.s32 v44, $0x4;
	v13 =	vadd.f32 $0.0e+00, v13;
	v5 =	vadd.f32 $0.0e+00, v5;
	v59 =	vld [tilespmem:$0x1FFE0]  }
0x73: {  	v22 =	vadd.f32 v11, v22;
	v11 =	vnsel vm12, $0x0, v33;
	v33 =	vnsel vm6, $0x0, v42;
	v42 =	vld [tilespmem:$0x90]  }
0x74: {  	v30 =	vadd.f32 $0.0e+00, v30;
	vm11 =	veq.s32 v54, $0x5;
	vm12 =	veq.s32 v56, $0x6;
	v56 =	vld [tilespmem:$0x1FFC0]  }
0x75: {  	vm10 =	veq.s32 v52, $0x5;
	v54 =	vnsel vm11, $0x0, v55;
	vm11 =	veq.s32 v6, $0x8;
	v6 =	vld [tilespmem:$0xB0]  }
0x76: {  	v27 =	vadd.f32 v39, v27;
	v39 =	vnsel vm10, $0x0, v50;
	v26 =	vadd.f32 v37, v11;
	v37 =	vld [tilespmem:$0xB0]  }
0x77: {  	v21 =	vadd.f32 $0.0e+00, v21;
	v47 =	vadd.f32 $0.0e+00, v49;
	v11 =	vnsel vm4, $0x0, v41;
	v41 =	vld [tilespmem:$0x20]  }
0x78: {  	v9 =	vnsel vm13, $0x0, v9;
	vm13 =	veq.s32 v3, $0xC;
	v33 =	vadd.f32 v46, v33;
	v46 =	vld [tilespmem:$0x10]  }
0x79: {  	v55 =	vadd.f32 $0.0e+00, v57;
	vm6 =	veq.s32 v12, $0x7;
	v49 =	vnsel vm8, $0x0, v47;
	v47 =	vld [tilespmem:$0x30]  }
0x7a: {  	v39 =	vadd.f32 v54, v39;
	vm4 =	veq.s32 v2, $0x7;
	v2 =	vld [tilespmem:$0x80];
	v1 =	vnsel vm6, $0x0, v1  }
0x7b: {  	v54 =	vld [tilespmem:$0x1FFA0];
	v62 =	vnsel vm11, $0x0, v7;
	vm6 =	veq.s32 v34, $0xA;
	v32 =	vadd.f32 v45, v11  }
0x7c: {  	v34 =	vld [tilespmem:$0x90];
	v38 =	vadd.f32 v53, v49;
	v57 =	vnsel vm12, $0x0, v55;
	v45 =	vnsel vm14, $0x0, v58  }
0x7d: {  	v49 =	vld [tilespmem:$0xB0];
	v11 =	vnsel vm15, $0x0, v63;
	v0 =	vnsel vm4, $0x0, v0;
	v63 =	vadd.f32 $0.0e+00, v16  }
0x7e: {  	v55 =	vld [tilespmem:$0x1FFB0];
	vm12 =	veq.s32 v15, $0x9;
	vm14 =	veq.s32 v20, $0x9;
	vm4 =	veq.s32 v28, $0xA  }
0x7f: {  	[tilespmem:$0x120] =	vst v18;
	v58 =	vld [tilespmem:$0x1FFD0];
	v18 =	vnsel vm6, $0x0, v30;
	vm6 =	veq.s32 v19, $0xD;
	v44 =	vadd.f32 v61, v57  }
0x80: {  	v16 =	vld [tilespmem:$0x0];
	v45 =	vadd.f32 v11, v45;
	vm15 =	veq.s32 v23, $0x9;
	vm10 =	veq.s32 v59, $0x8  }
0x81: {  	v15 =	vld [tilespmem:$0xA0];
	[tilespmem:$0x190] =	vst v33;
	v7 =	vnsel vm12, $0x0, v63;
	v23 =	vnsel vm15, $0x0, v25;
	v25 =	vadd.f32 $0.0e+00, v24  }
0x82: {  	v33 =	vld [tilespmem:$0x10];
	[tilespmem:$0x1A0] =	vst v38;
	vm12 =	veq.s32 v51, $0xC;
	v38 =	vnsel vm13, $0x0, v8;
	vm8 =	veq.s32 v56, $0x8  }
0x83: {  	[tilespmem:$0x1B0] =	vst v39;
	v39 =	vld [tilespmem:$0xB0];
	v61 =	vnsel vm10, $0x0, v5;
	v7 =	vadd.f32 v9, v7;
	v59 =	vadd.f32 $0.0e+00, v42  }
0x84: {  	[tilespmem:$0x100] =	vst v4;
	v51 =	vld [tilespmem:$0x90];
	v11 =	vnsel vm5, $0x0, v54;
	v57 =	vnsel vm8, $0x0, v13;
	v4 =	vadd.f32 v62, v61  }
0x85: {  	[tilespmem:$0x110] =	vst v10;
	v5 =	vld [tilespmem:$0x80];
	v28 =	vnsel vm4, $0x0, v25;
	vm5 =	veq.s32 v29, $0xA;
	vm8 =	veq.s32 v40, $0xB  }
0x86: {  	[tilespmem:$0x170] =	vst v27;
	v56 =	vld [tilespmem:$0x0];
	vm10 =	veq.s32 v46, $0xB;
	vm11 =	veq.s32 v47, $0xB;
	v2 =	vadd.f32 $0.0e+00, v2  }
0x87: {  	[tilespmem:$0x1D0] =	vst v45;
	v45 =	vld [tilespmem:$0x20];
	v12 =	vnsel vm7, $0x0, v55;
	v0 =	vadd.f32 v11, v0;
	vm9 =	veq.s32 v58, $0x8  }
0x88: {  	[tilespmem:$0x130] =	vst v17;
	v13 =	vld [tilespmem:$0x30];
	v52 =	vnsel vm5, $0x0, v31;
	vm7 =	veq.s32 v35, $0xA;
	v55 =	vadd.f32 $0.0e+00, v36  }
0x89: {  	[tilespmem:$0x150] =	vst v22;
	v40 =	vld [tilespmem:$0x0];
	v24 =	vnsel vm10, $0x0, v59;
	v63 =	vnsel vm11, $0x0, v49;
	vm4 =	veq.s32 v16, $0xD  }
0x8a: {  	[tilespmem:$0x160] =	vst v26;
	v47 =	vld [tilespmem:$0xA0];
	vm5 =	veq.s32 v14, $0xD;
	v1 =	vadd.f32 v12, v1;
	v50 =	vnsel vm9, $0x0, v60  }
0x8b: {  	[tilespmem:$0x180] =	vst v32;
	v11 =	vld [tilespmem:$0x90];
	v12 =	vnsel vm14, $0x0, v21;
	v54 =	vnsel vm7, $0x0, v37;
	v17 =	vadd.f32 v52, v28  }
0x8c: {  	[tilespmem:$0x1C0] =	vst v44;
	vm9 =	veq.s32 v41, $0xB;
	v60 =	vld [tilespmem:$0x20];
	v24 =	vadd.f32 v63, v24;
	v35 =	vnsel vm12, $0x0, v2  }
0x8d: {  	[tilespmem:$0x220] =	vst v7;
	v37 =	vld [tilespmem:$0x30];
	vm14 =	veq.s32 v48, $0xC;
	v46 =	vnsel vm5, $0x0, v15;
	v10 =	vadd.f32 v50, v57  }
0x8e: {  	[tilespmem:$0x210] =	vst v4;
	v9 =	vadd.f32 v23, v12;
	v12 =	vld [tilespmem:$0x90];
	v18 =	vadd.f32 v54, v18;
	v58 =	vnsel vm8, $0x0, v55  }
0x8f: {  	v50 =	vld [tilespmem:$0x30];
	v61 =	vnsel vm9, $0x0, v43;
	[tilespmem:$0x1E0] =	vst v0;
	v0 =	vadd.f32 v38, v35;
	v59 =	vadd.f32 $0.0e+00, v51  }
0x90: {  	vm10 =	veq.s32 v33, $0xE;
	v57 =	vld [tilespmem:$0x80];
	v23 =	vadd.f32 v61, v58;
	[tilespmem:$0x1F0] =	vst v1;
	v5 =	vadd.f32 $0.0e+00, v5  }
0x91: {  	v62 =	vld [tilespmem:$0xA0];
	[tilespmem:$0x240] =	vst v17;
	vm8 =	veq.s32 v56, $0xE;
	vm13 =	veq.s32 v45, $0xF;
	vm15 =	veq.s32 v13, $0xC  }
0x92: {  	v53 =	vld [tilespmem:$0xB0];
	[tilespmem:$0x270] =	vst v24;
	vm12 =	veq.s32 v40, $0xF;
	v36 =	vadd.f32 $0.0e+00, v11;
	v43 =	vnsel vm4, $0x0, v5  }
0x93: {  	v42 =	vld [tilespmem:$0x80];
	[tilespmem:$0x200] =	vst v10;
	v6 =	vnsel vm15, $0x0, v6;
	v4 =	vadd.f32 v46, v43;
	vm9 =	veq.s32 v60, $0xE  }
0x94: {  	v54 =	vld [tilespmem:$0x30];
	[tilespmem:$0x230] =	vst v9;
	vm11 =	veq.s32 v37, $0xE;
	v60 =	vnsel vm13, $0x0, v47;
	v2 =	vnsel vm14, $0x0, v36  }
0x95: {  	[tilespmem:$0x250] =	vst v18;
	v44 =	vadd.f32 $0.0e+00, v12;
	vm7 =	veq.s32 v50, $0xD;
	v49 =	vadd.f32 $0.0e+00, v57;
	v50 =	vld [tilespmem:$0x10]  }
0x96: {  	v56 =	vld [tilespmem:$0xB0];
	[tilespmem:$0x280] =	vst v0;
	v55 =	vnsel vm9, $0x0, v62;
	v8 =	vnsel vm11, $0x0, v39;
	v41 =	vadd.f32 v6, v2  }
0x97: {  	[tilespmem:$0x260] =	vst v23;
	v48 =	vnsel vm7, $0x0, v53;
	v53 =	vadd.f32 $0.0e+00, v34;
	v5 =	vnsel vm6, $0x0, v44  }
0x98: {  	v2 =	vadd.f32 $0.0e+00, v42;
	[tilespmem:$0x2A0] =	vst v4;
	v52 =	vnsel vm8, $0x0, v49;
	v5 =	vadd.f32 v48, v5  }
0x99: {  	vm15 =	veq.s32 v54, $0xF;
	v57 =	vnsel vm10, $0x0, v53;
	[tilespmem:$0x290] =	vst v41;
	v58 =	vadd.f32 v55, v52  }
0x9a: {  	v2 =	vnsel vm12, $0x0, v2;
	v0 =	vadd.f32 v8, v57;
	[tilespmem:$0x2B0] =	vst v5;
	vm14 =	veq.s32 v50, $0xF  }
0x9b: {  	v62 =	vnsel vm15, $0x0, v56;
	v61 =	vadd.f32 v60, v2;
	[tilespmem:$0x2C0] =	vst v58;
	v4 =	vnsel vm14, $0x0, v59  }
0x9c: {  	[tilespmem:$0x2D0] =	vst v0;
	v63 =	vadd.f32 v62, v4  }
0x9d: {  	s5 =	sadd.s32 $0xFFFFFFFF, s5;
	[tilespmem:$0x2E0] =	vst v61  }
0x9e: {  	s9 =	simm.s32 @!p0 $0x0;
	s10 =	simm.s32 @!p0 $0x100;
	p1 =	sne.s32 s5, $0x0;
	[tilespmem:$0x2F0] =	vst v63  }
0x9f: {  	[hbm4b:s1+s9] =	stream.linear.scatter @!p0 [tilespmem:s10], [sflag:$0x1], $0x200, $0x38;
	[tilespmem:$0x300] =	vst v63  }
.Ltmp0:
0xa0: {  	_ = 	snop;
	(pc) =	sbr.rel @p1 .LBB2_1-.Ltmp0, $4  }
0xa1: {  	s9 =	simm.s32 @!p0 $0x1  }
0xa2: {  	_ =	swait.ge @!p0 [sflag:s9], $0x200  }
0xa3: {  	[sflag:s9] =	ssyncset.done @!p0 $0x0  }
0xa4: {  	[sflag:s9] =	ssyncadd.s32 @!p0 $0xFFFFFE00  }
0xa5: {  	_ =	sfence.sel $0x180000  }
0xa6: {  	[bflag:$0x0] =	sbarrier.arrive $0xFFFF  }
0xa7: {  	p0 =	sne.s32 s2, $0x0;
	_ =	strace $0x90000047  }
0xa8: {  	s0 =	sadd.s32 @!p0 $0x100000, s0;
	[bflag:$0x2] =	sbarrier.arrive $0xFFFF  }
0xa9: {  	[sflag:s0] =	ssyncadd.tile.s32 @!p0 $0x1;
	_ =	shalt  }
.Lfunc_end2:
_tile_overlayer_lowered:
.L_overlay_start_2:
0xaa: {  	(tag) =	ssettag $0x2  }
0xab: {  	s0 =	rddreg [dreg:$0x0];
	s2 =	stileid.u32  }
0xac: {  	s1 =	rddreg [dreg:$0x1];
	p0 =	sne.s32 s2, $0x0  }
0xad: {  	s3 =	rddreg [dreg:$0x2];
	[bflag:$0x3] =	sbarrier.arrive $0xFFFF;
	s2 =	simm.s32 @!p0 $0x1C01  }
0xae: {  	[timem:s3], [sflag:s2] =	dma.local @!p0 [hbm:s0], s1  }
0xaf: {  	s0 =	simm.s32 @!p0 $0x1  }
0xb0: {  	_ =	swait.ge @!p0 [sflag:s0], s1  }
0xb1: {  	s1 =	ssub.s32 @!p0 $0x0, s1;
	[sflag:s0] =	ssyncset.done @!p0 $0x0  }
0xb2: {  	[sflag:s0] =	ssyncadd.s32 @!p0 s1  }
0xb3: {  	[bflag:$0x3] =	sbarrier.arrive $0xFFFF  }
0xb4: {  	_ =	shalt  }

</sc_bundles>
